<compile_context>
chip_gen: v7x
topology: tpu7x:2x2x1
jax: 0.10.2.dev20260603
libtpu: 0.0.44.dev20260713+nightly
codegen_flags: <defaults>
</compile_context>

<pallas_src>
import functools
import math

import jax
import jax.numpy as jnp
from jax import lax
from jax.experimental import pallas as pl
from jax.experimental.pallas import tpu as pltpu
from jax.experimental.pallas import tpu_sc as plsc

_NUM_BUCKETS = 64
_MAX_DISTANCE = 32768
_TABLE_ROWS = 256
_TABLE_COLS = 128

_L = 16
_NW = 32
_N = 64 * 32768
_PER_W = _N // _NW
_CH = 16384
_NCH = _PER_W // _CH


def _table_body(bias_ref, out_ref):
    r = lax.broadcasted_iota(jnp.int32, (_TABLE_ROWS, _TABLE_COLS), 0)
    c = lax.broadcasted_iota(jnp.int32, (_TABLE_ROWS, _TABLE_COLS), 1)
    p = r * _TABLE_COLS + c
    exact = _NUM_BUCKETS // 2
    rel = p.astype(jnp.float32) - exact
    log_b = exact + (_NUM_BUCKETS - exact - 1) * jnp.log(
        jnp.clip(rel, 1.0, None)) / math.log(max(_MAX_DISTANCE - exact, 2))
    bucket = jnp.where(p < exact, p, log_b.astype(jnp.int32))
    bucket = jnp.clip(bucket, 0, _NUM_BUCKETS - 1)
    acc = jnp.zeros((_TABLE_ROWS, _TABLE_COLS), jnp.float32)
    for b in range(_NUM_BUCKETS):
        acc = jnp.where(bucket == b, bias_ref[b], acc)
    out_ref[...] = acc


def _build_table(bias):
    table2d = pl.pallas_call(
        _table_body,
        out_shape=jax.ShapeDtypeStruct((_TABLE_ROWS, _TABLE_COLS), jnp.float32),
        in_specs=[pl.BlockSpec(memory_space=pltpu.SMEM)],
        out_specs=pl.BlockSpec(memory_space=pltpu.VMEM),
    )(bias)
    return table2d.reshape(_MAX_DISTANCE)


_ROWS = 64
_COLS = 32768
_ROWS_PER_W = _ROWS // _NW
_CH_PER_ROW = _COLS // _CH
_NCHUNK = _ROWS_PER_W * _CH_PER_ROW


_S = 3584
_V = _CH - _S


def _sc_gather(table, positions):
    mesh = plsc.VectorSubcoreMesh(core_axis_name="c", subcore_axis_name="s")

    @functools.partial(
        pl.kernel,
        mesh=mesh,
        out_type=jax.ShapeDtypeStruct((_ROWS, _COLS), jnp.float32),
        compiler_params=pltpu.CompilerParams(
            needs_layout_passes=False,
            disable_bounds_checks=True,
            disable_semaphore_checks=True,
        ),
        scratch_types=[
            pltpu.VMEM((_MAX_DISTANCE,), jnp.float32),
            pltpu.VMEM_SHARED((_MAX_DISTANCE,), jnp.float32),
            pltpu.VMEM((_V,), jnp.int32),
            pltpu.VMEM((_V,), jnp.int32),
            pltpu.VMEM((_S,), jnp.int32),
            pltpu.VMEM((_S,), jnp.int32),
            pltpu.VMEM((_V,), jnp.float32),
            pltpu.VMEM((_V,), jnp.float32),
            pltpu.VMEM((_S,), jnp.float32),
            pltpu.VMEM((_S,), jnp.float32),
            pltpu.SemaphoreType.DMA,
            pltpu.SemaphoreType.DMA,
            pltpu.SemaphoreType.DMA,
            pltpu.SemaphoreType.DMA,
            pltpu.SemaphoreType.DMA,
            pltpu.SemaphoreType.DMA,
            pltpu.SemaphoreType.DMA,
            pltpu.SemaphoreType.DMA,
            pltpu.SemaphoreType.DMA,
            pltpu.SemaphoreType.DMA,
            pltpu.SemaphoreType.DMA,
            pltpu.SemaphoreType.DMA,
        ],
    )
    def k(table_hbm, pos_hbm, out_hbm, table_v, table_sh,
          idx0, idx1, sidx0, sidx1, val0, val1, sval0, sval1,
          tsem, shsem, lsem0, lsem1, slsem0, slsem1,
          ssem0, ssem1, sssem0, sssem1, gsem0, gsem1):
        sid = lax.axis_index("s")
        wid = sid * 2 + lax.axis_index("c")
        idx = [idx0, idx1]
        sidx = [sidx0, sidx1]
        val = [val0, val1]
        sval = [sval0, sval1]
        lsem = [lsem0, lsem1]
        slsem = [slsem0, slsem1]
        ssem = [ssem0, ssem1]
        sssem = [sssem0, sssem1]
        gsem = [gsem0, gsem1]

        def pos_slice(c):
            row = wid * _ROWS_PER_W + (c // _CH_PER_ROW)
            col = (c % _CH_PER_ROW) * _CH
            return row, col

        def issue_loads(c, b):
            r, col = pos_slice(c)
            pltpu.async_copy(pos_hbm.at[r, pl.ds(col, _S)], sidx[b], slsem[b])
            pltpu.async_copy(pos_hbm.at[r, pl.ds(col + _S, _V)], idx[b], lsem[b])

        ht = pltpu.async_copy(table_hbm, table_v, tsem)
        for c in range(2):
            issue_loads(c, c % 2)

        @pl.when(sid == 0)
        def _():
            pltpu.async_copy(table_hbm, table_sh, shsem).wait()
        plsc.subcore_barrier()
        ht.wait()

        def super_body(s_i, carry):
            for b in range(2):
                c = s_i * 2 + b
                pltpu.make_async_copy(
                    pos_hbm.at[0, pl.ds(0, _S)], sidx[b], slsem[b]).wait()

                @pl.when(c >= 2)
                def _():
                    pltpu.make_async_copy(
                        sval[b], out_hbm.at[0, pl.ds(0, _S)], sssem[b]).wait()

                hg = pltpu.async_copy(table_sh.at[sidx[b]], sval[b], gsem[b])
                pltpu.make_async_copy(
                    pos_hbm.at[0, pl.ds(0, _V)], idx[b], lsem[b]).wait()

                @pl.when(c >= 2)
                def _():
                    pltpu.make_async_copy(
                        val[b], out_hbm.at[0, pl.ds(0, _V)], ssem[b]).wait()

                @plsc.parallel_loop(0, _V, step=_L, unroll=8)
                def gather_body(i, _idx=idx[b], _val=val[b]):
                    _val[pl.ds(i, _L)] = plsc.load_gather(table_v, [_idx[pl.ds(i, _L)]])

                hg.wait()
                r, col = pos_slice(c)
                pltpu.async_copy(sval[b], out_hbm.at[r, pl.ds(col, _S)], sssem[b])
                pltpu.async_copy(val[b], out_hbm.at[r, pl.ds(col + _S, _V)], ssem[b])

                @pl.when(c + 2 < _NCHUNK)
                def _():
                    issue_loads(c + 2, b)
            return carry

        lax.fori_loop(0, _NCHUNK // 2, super_body, 0)

        for b in range(2):
            pltpu.make_async_copy(
                sval[b], out_hbm.at[0, pl.ds(0, _S)], sssem[b]).wait()
            pltpu.make_async_copy(
                val[b], out_hbm.at[0, pl.ds(0, _V)], ssem[b]).wait()

    return k(table, positions)


def kernel(positions, bias):
    table = _build_table(bias)
    return _sc_gather(table, positions)

# --- scband reference (transcript-rebuilt; emitter-appended) ---
"""Pipeline reference for scband-position-bias-14869176779249 (READ-ONLY COPY).

The authoritative reference and input builder live on the scoring server;
editing this copy changes nothing except your own understanding.
"""

import jax, jax.numpy as jnp
import numpy as np
import math

NUM_BUCKETS = 64
MAX_DISTANCE = 32768


def _position_to_bucket(positions):
    positions = jnp.clip(positions, 0, MAX_DISTANCE - 1)
    exact_buckets = NUM_BUCKETS // 2
    is_small = positions < exact_buckets
    relative_position = positions.astype(jnp.float32) - exact_buckets
    max_relative = MAX_DISTANCE - exact_buckets
    log_buckets = exact_buckets + (NUM_BUCKETS - exact_buckets - 1) * jnp.log(jnp.clip(relative_position, 1.0, None)) / math.log(max(max_relative, 2))
    bucket_ids = jnp.where(is_small, positions, log_buckets.astype(positions.dtype))
    return jnp.clip(bucket_ids, 0, NUM_BUCKETS - 1)


def setup_inputs(seed: int = 0) -> dict:
    key = jax.random.key(seed)
    k1, k2 = jax.random.split(key)
    positions = jax.random.randint(k1, (64, 32768), 0, 32768, dtype=jnp.int32)
    bias = jax.random.normal(k2, (NUM_BUCKETS,), dtype=jnp.float32) * 0.02
    return {"positions": positions, "bias": bias}


def reference(positions, bias):
    bucket_ids = _position_to_bucket(positions)
    return jnp.take(bias, bucket_ids, axis=0)

if __name__ == "__main__":
    import jax
    _d = setup_inputs()
    print(jax.jit(kernel)(*tuple(_d.values())))

</pallas_src>

<mosaic_0001>
#map = affine_map<(d0, d1) -> (0)>
#map1 = affine_map<(d0, d1) -> (0, 0)>
module attributes {stable_mosaic.version = 14 : i64} {
  func.func @k(%arg0: i32, %arg1: i32, %arg2: memref<32768xf32, #tpu.memory_space<hbm>>, %arg3: memref<64x32768xi32, #tpu.memory_space<hbm>>, %arg4: memref<64x32768xf32, #tpu.memory_space<hbm>>, %arg5: memref<32768xf32, #tpu.memory_space<vmem>>, %arg6: memref<32768xf32, #tpu.memory_space<vmem_shared>>, %arg7: memref<12800xi32, #tpu.memory_space<vmem>>, %arg8: memref<12800xi32, #tpu.memory_space<vmem>>, %arg9: memref<3584xi32, #tpu.memory_space<vmem>>, %arg10: memref<3584xi32, #tpu.memory_space<vmem>>, %arg11: memref<12800xf32, #tpu.memory_space<vmem>>, %arg12: memref<12800xf32, #tpu.memory_space<vmem>>, %arg13: memref<3584xf32, #tpu.memory_space<vmem>>, %arg14: memref<3584xf32, #tpu.memory_space<vmem>>, %arg15: memref<!tpu.dma_semaphore, #tpu.memory_space<semaphore_mem>>, %arg16: memref<!tpu.dma_semaphore, #tpu.memory_space<semaphore_mem>>, %arg17: memref<!tpu.dma_semaphore, #tpu.memory_space<semaphore_mem>>, %arg18: memref<!tpu.dma_semaphore, #tpu.memory_space<semaphore_mem>>, %arg19: memref<!tpu.dma_semaphore, #tpu.memory_space<semaphore_mem>>, %arg20: memref<!tpu.dma_semaphore, #tpu.memory_space<semaphore_mem>>, %arg21: memref<!tpu.dma_semaphore, #tpu.memory_space<semaphore_mem>>, %arg22: memref<!tpu.dma_semaphore, #tpu.memory_space<semaphore_mem>>, %arg23: memref<!tpu.dma_semaphore, #tpu.memory_space<semaphore_mem>>, %arg24: memref<!tpu.dma_semaphore, #tpu.memory_space<semaphore_mem>>, %arg25: memref<!tpu.dma_semaphore, #tpu.memory_space<semaphore_mem>>, %arg26: memref<!tpu.dma_semaphore, #tpu.memory_space<semaphore_mem>>) attributes {dimension_semantics = [#tpu.dimension_semantics<core_parallel>, #tpu.dimension_semantics<subcore_parallel>], iteration_bounds = array<i64: 2, 16>, scalar_prefetch = 0 : i64, scratch_operands = 22 : i64, tpu.core_type = #tpu.core_type<sc_vector_subcore>, window_params = [{transform_indices = #map}, {transform_indices = #map1}, {transform_indices = #map1}]} {
    %mul3A = arith.constant 2 : i32
    %mul3A_0 = arith.muli %arg1, %mul3A : i32
    %add3A = arith.addi %mul3A_0, %arg0 : i32
    tpu.enqueue_dma source(%arg2 : memref<32768xf32, #tpu.memory_space<hbm>>) target(%arg5 : memref<32768xf32, #tpu.memory_space<vmem>>) target_semaphore(%arg15 : memref<!tpu.dma_semaphore, #tpu.memory_space<semaphore_mem>>)
    %mul3A_1 = arith.constant 2 : i32
    %mul3A_2 = arith.muli %add3A, %mul3A_1 : i32
    %add3A_3 = arith.constant 0 : i32
    %add3A_4 = arith.addi %mul3A_2, %add3A_3 : i32
    %dma_start3A = arith.constant 0 : i32
    %dma_start3A_5 = tpu.memref_slice %arg3[%add3A_4, %dma_start3A] : memref<64x32768xi32, #tpu.memory_space<hbm>> -> memref<1x3584xi32, #tpu.memory_space<hbm>>
    %dma_start3A_6 = tpu.memref_squeeze %dma_start3A_5 : memref<1x3584xi32, #tpu.memory_space<hbm>> -> memref<3584xi32, #tpu.memory_space<hbm>>
    %dma_start3A_7 = arith.constant 0 : i32
    %dma_start3A_8 = tpu.memref_slice %arg3[%add3A_4, %dma_start3A_7] : memref<64x32768xi32, #tpu.memory_space<hbm>> -> memref<1x3584xi32, #tpu.memory_space<hbm>>
    %dma_start3A_9 = tpu.memref_squeeze %dma_start3A_8 : memref<1x3584xi32, #tpu.memory_space<hbm>> -> memref<3584xi32, #tpu.memory_space<hbm>>
    tpu.enqueue_dma source(%dma_start3A_9 : memref<3584xi32, #tpu.memory_space<hbm>>) target(%arg9 : memref<3584xi32, #tpu.memory_space<vmem>>) target_semaphore(%arg19 : memref<!tpu.dma_semaphore, #tpu.memory_space<semaphore_mem>>)
    %dma_start3A_10 = arith.constant 3584 : i32
    %dma_start3A_11 = tpu.memref_slice %arg3[%add3A_4, %dma_start3A_10] : memref<64x32768xi32, #tpu.memory_space<hbm>> -> memref<1x12800xi32, #tpu.memory_space<hbm>>
    %dma_start3A_12 = tpu.memref_squeeze %dma_start3A_11 : memref<1x12800xi32, #tpu.memory_space<hbm>> -> memref<12800xi32, #tpu.memory_space<hbm>>
    %dma_start3A_13 = arith.constant 3584 : i32
    %dma_start3A_14 = tpu.memref_slice %arg3[%add3A_4, %dma_start3A_13] : memref<64x32768xi32, #tpu.memory_space<hbm>> -> memref<1x12800xi32, #tpu.memory_space<hbm>>
    %dma_start3A_15 = tpu.memref_squeeze %dma_start3A_14 : memref<1x12800xi32, #tpu.memory_space<hbm>> -> memref<12800xi32, #tpu.memory_space<hbm>>
    tpu.enqueue_dma source(%dma_start3A_15 : memref<12800xi32, #tpu.memory_space<hbm>>) target(%arg7 : memref<12800xi32, #tpu.memory_space<vmem>>) target_semaphore(%arg17 : memref<!tpu.dma_semaphore, #tpu.memory_space<semaphore_mem>>)
    %mul3A_16 = arith.constant 2 : i32
    %mul3A_17 = arith.muli %add3A, %mul3A_16 : i32
    %add3A_18 = arith.constant 0 : i32
    %add3A_19 = arith.addi %mul3A_17, %add3A_18 : i32
    %dma_start3A_20 = arith.constant 16384 : i32
    %dma_start3A_21 = tpu.memref_slice %arg3[%add3A_19, %dma_start3A_20] : memref<64x32768xi32, #tpu.memory_space<hbm>> -> memref<1x3584xi32, #tpu.memory_space<hbm>>
    %dma_start3A_22 = tpu.memref_squeeze %dma_start3A_21 : memref<1x3584xi32, #tpu.memory_space<hbm>> -> memref<3584xi32, #tpu.memory_space<hbm>>
    %dma_start3A_23 = arith.constant 16384 : i32
    %dma_start3A_24 = tpu.memref_slice %arg3[%add3A_19, %dma_start3A_23] : memref<64x32768xi32, #tpu.memory_space<hbm>> -> memref<1x3584xi32, #tpu.memory_space<hbm>>
    %dma_start3A_25 = tpu.memref_squeeze %dma_start3A_24 : memref<1x3584xi32, #tpu.memory_space<hbm>> -> memref<3584xi32, #tpu.memory_space<hbm>>
    tpu.enqueue_dma source(%dma_start3A_25 : memref<3584xi32, #tpu.memory_space<hbm>>) target(%arg10 : memref<3584xi32, #tpu.memory_space<vmem>>) target_semaphore(%arg20 : memref<!tpu.dma_semaphore, #tpu.memory_space<semaphore_mem>>)
    %dma_start3A_26 = arith.constant 19968 : i32
    %dma_start3A_27 = tpu.memref_slice %arg3[%add3A_19, %dma_start3A_26] : memref<64x32768xi32, #tpu.memory_space<hbm>> -> memref<1x12800xi32, #tpu.memory_space<hbm>>
    %dma_start3A_28 = tpu.memref_squeeze %dma_start3A_27 : memref<1x12800xi32, #tpu.memory_space<hbm>> -> memref<12800xi32, #tpu.memory_space<hbm>>
    %dma_start3A_29 = arith.constant 19968 : i32
    %dma_start3A_30 = tpu.memref_slice %arg3[%add3A_19, %dma_start3A_29] : memref<64x32768xi32, #tpu.memory_space<hbm>> -> memref<1x12800xi32, #tpu.memory_space<hbm>>
    %dma_start3A_31 = tpu.memref_squeeze %dma_start3A_30 : memref<1x12800xi32, #tpu.memory_space<hbm>> -> memref<12800xi32, #tpu.memory_space<hbm>>
    tpu.enqueue_dma source(%dma_start3A_31 : memref<12800xi32, #tpu.memory_space<hbm>>) target(%arg8 : memref<12800xi32, #tpu.memory_space<vmem>>) target_semaphore(%arg18 : memref<!tpu.dma_semaphore, #tpu.memory_space<semaphore_mem>>)
    %eq3A = arith.constant 0 : i32
    %eq3A_32 = arith.cmpi eq, %arg1, %eq3A : i32
    %convert_element_type3A = arith.extui %eq3A_32 : i1 to i32
    %cond3A = arith.constant 0 : i32
    %cond3A_33 = arith.cmpi ne, %convert_element_type3A, %cond3A : i32
    scf.if %cond3A_33 {
      tpu.enqueue_dma source(%arg2 : memref<32768xf32, #tpu.memory_space<hbm>>) target(%arg6 : memref<32768xf32, #tpu.memory_space<vmem_shared>>) target_semaphore(%arg16 : memref<!tpu.dma_semaphore, #tpu.memory_space<semaphore_mem>>)
      tpu.wait_dma2 semaphore(%arg16 : memref<!tpu.dma_semaphore, #tpu.memory_space<semaphore_mem>>) src(%arg2 : memref<32768xf32, #tpu.memory_space<hbm>>) dst(%arg6 : memref<32768xf32, #tpu.memory_space<vmem_shared>>)
    } else {
    }
    %barrier3A = arith.constant 0 : index
    tpu.barrier barrier_id(%barrier3A)
    tpu.wait_dma2 semaphore(%arg15 : memref<!tpu.dma_semaphore, #tpu.memory_space<semaphore_mem>>) src(%arg2 : memref<32768xf32, #tpu.memory_space<hbm>>) dst(%arg5 : memref<32768xf32, #tpu.memory_space<vmem>>)
    %scan3A = arith.constant 0 : i32
    %scan3A_34 = arith.constant 0 : i32
    %scan3A_35 = arith.constant 2 : i32
    %scan3A_36 = arith.addi %scan3A_34, %scan3A_35 : i32
    %scan3A_37 = arith.constant 1 : i32
    scf.for %scan3A_66 = %scan3A_34 to %scan3A_36 step %scan3A_37  : i32 {
      %mul3A_67 = arith.constant 2 : i32
      %mul3A_68 = arith.muli %scan3A_66, %mul3A_67 : i32
      %add3A_69 = arith.constant 0 : i32
      %add3A_70 = arith.addi %mul3A_68, %add3A_69 : i32
      %dma_wait3A_71 = arith.constant 0 : i32
      %dma_wait3A_72 = arith.constant 0 : i32
      %dma_wait3A_73 = tpu.memref_slice %arg3[%dma_wait3A_71, %dma_wait3A_72] : memref<64x32768xi32, #tpu.memory_space<hbm>> -> memref<1x3584xi32, #tpu.memory_space<hbm>>
      %dma_wait3A_74 = tpu.memref_squeeze %dma_wait3A_73 : memref<1x3584xi32, #tpu.memory_space<hbm>> -> memref<3584xi32, #tpu.memory_space<hbm>>
      %dma_wait3A_75 = arith.constant 0 : i32
      %dma_wait3A_76 = tpu.memref_slice %arg3[%dma_wait3A_71, %dma_wait3A_75] : memref<64x32768xi32, #tpu.memory_space<hbm>> -> memref<1x3584xi32, #tpu.memory_space<hbm>>
      %dma_wait3A_77 = tpu.memref_squeeze %dma_wait3A_76 : memref<1x3584xi32, #tpu.memory_space<hbm>> -> memref<3584xi32, #tpu.memory_space<hbm>>
      tpu.wait_dma2 semaphore(%arg19 : memref<!tpu.dma_semaphore, #tpu.memory_space<semaphore_mem>>) src(%dma_wait3A_77 : memref<3584xi32, #tpu.memory_space<hbm>>) dst(%arg9 : memref<3584xi32, #tpu.memory_space<vmem>>)
      %ge3A = arith.constant 2 : i32
      %ge3A_78 = arith.cmpi sge, %add3A_70, %ge3A : i32
      %convert_element_type3A_79 = arith.extui %ge3A_78 : i1 to i32
      %cond3A_80 = arith.constant 0 : i32
      %cond3A_81 = arith.cmpi ne, %convert_element_type3A_79, %cond3A_80 : i32
      scf.if %cond3A_81 {
        %dma_wait3A_250 = arith.constant 0 : i32
        %dma_wait3A_251 = arith.constant 0 : i32
        %dma_wait3A_252 = tpu.memref_slice %arg4[%dma_wait3A_250, %dma_wait3A_251] : memref<64x32768xf32, #tpu.memory_space<hbm>> -> memref<1x3584xf32, #tpu.memory_space<hbm>>
        %dma_wait3A_253 = tpu.memref_squeeze %dma_wait3A_252 : memref<1x3584xf32, #tpu.memory_space<hbm>> -> memref<3584xf32, #tpu.memory_space<hbm>>
        %dma_wait3A_254 = arith.constant 0 : i32
        %dma_wait3A_255 = tpu.memref_slice %arg4[%dma_wait3A_250, %dma_wait3A_254] : memref<64x32768xf32, #tpu.memory_space<hbm>> -> memref<1x3584xf32, #tpu.memory_space<hbm>>
        %dma_wait3A_256 = tpu.memref_squeeze %dma_wait3A_255 : memref<1x3584xf32, #tpu.memory_space<hbm>> -> memref<3584xf32, #tpu.memory_space<hbm>>
        tpu.wait_dma2 semaphore(%arg23 : memref<!tpu.dma_semaphore, #tpu.memory_space<semaphore_mem>>) src(%arg13 : memref<3584xf32, #tpu.memory_space<vmem>>) dst(%dma_wait3A_256 : memref<3584xf32, #tpu.memory_space<hbm>>)
      } else {
      }
      %dma_start3A_82 = arith.constant 0 : i32
      %dma_start3A_83 = tpu.memref_slice %arg6[%dma_start3A_82] : memref<32768xf32, #tpu.memory_space<vmem_shared>> -> memref<32768xf32, #tpu.memory_space<vmem_shared>>
      tpu.enqueue_indirect_dma source(%dma_start3A_83 : memref<32768xf32, #tpu.memory_space<vmem_shared>>) target(%arg13 : memref<3584xf32, #tpu.memory_space<vmem>>) offsets(%arg9 : memref<3584xi32, #tpu.memory_space<vmem>>) semaphore(%arg25 : memref<!tpu.dma_semaphore, #tpu.memory_space<semaphore_mem>>)
      %dma_wait3A_84 = arith.constant 0 : i32
      %dma_wait3A_85 = arith.constant 0 : i32
      %dma_wait3A_86 = tpu.memref_slice %arg3[%dma_wait3A_84, %dma_wait3A_85] : memref<64x32768xi32, #tpu.memory_space<hbm>> -> memref<1x12800xi32, #tpu.memory_space<hbm>>
      %dma_wait3A_87 = tpu.memref_squeeze %dma_wait3A_86 : memref<1x12800xi32, #tpu.memory_space<hbm>> -> memref<12800xi32, #tpu.memory_space<hbm>>
      %dma_wait3A_88 = arith.constant 0 : i32
      %dma_wait3A_89 = tpu.memref_slice %arg3[%dma_wait3A_84, %dma_wait3A_88] : memref<64x32768xi32, #tpu.memory_space<hbm>> -> memref<1x12800xi32, #tpu.memory_space<hbm>>
      %dma_wait3A_90 = tpu.memref_squeeze %dma_wait3A_89 : memref<1x12800xi32, #tpu.memory_space<hbm>> -> memref<12800xi32, #tpu.memory_space<hbm>>
      tpu.wait_dma2 semaphore(%arg17 : memref<!tpu.dma_semaphore, #tpu.memory_space<semaphore_mem>>) src(%dma_wait3A_90 : memref<12800xi32, #tpu.memory_space<hbm>>) dst(%arg7 : memref<12800xi32, #tpu.memory_space<vmem>>)
      %ge3A_91 = arith.constant 2 : i32
      %ge3A_92 = arith.cmpi sge, %add3A_70, %ge3A_91 : i32
      %convert_element_type3A_93 = arith.extui %ge3A_92 : i1 to i32
      %cond3A_94 = arith.constant 0 : i32
      %cond3A_95 = arith.cmpi ne, %convert_element_type3A_93, %cond3A_94 : i32
      scf.if %cond3A_95 {
        %dma_wait3A_250 = arith.constant 0 : i32
        %dma_wait3A_251 = arith.constant 0 : i32
        %dma_wait3A_252 = tpu.memref_slice %arg4[%dma_wait3A_250, %dma_wait3A_251] : memref<64x32768xf32, #tpu.memory_space<hbm>> -> memref<1x12800xf32, #tpu.memory_space<hbm>>
        %dma_wait3A_253 = tpu.memref_squeeze %dma_wait3A_252 : memref<1x12800xf32, #tpu.memory_space<hbm>> -> memref<12800xf32, #tpu.memory_space<hbm>>
        %dma_wait3A_254 = arith.constant 0 : i32
        %dma_wait3A_255 = tpu.memref_slice %arg4[%dma_wait3A_250, %dma_wait3A_254] : memref<64x32768xf32, #tpu.memory_space<hbm>> -> memref<1x12800xf32, #tpu.memory_space<hbm>>
        %dma_wait3A_256 = tpu.memref_squeeze %dma_wait3A_255 : memref<1x12800xf32, #tpu.memory_space<hbm>> -> memref<12800xf32, #tpu.memory_space<hbm>>
        tpu.wait_dma2 semaphore(%arg21 : memref<!tpu.dma_semaphore, #tpu.memory_space<semaphore_mem>>) src(%arg11 : memref<12800xf32, #tpu.memory_space<vmem>>) dst(%dma_wait3A_256 : memref<12800xf32, #tpu.memory_space<hbm>>)
      } else {
      }
      %parallel_loop3A = arith.constant 0 : i32
      %parallel_loop3A_96 = arith.constant 12800 : i32
      %parallel_loop3A_97 = arith.constant 16 : i32
      scf.for %parallel_loop3A_250 = %parallel_loop3A to %parallel_loop3A_96 step %parallel_loop3A_97  : i32 {
        %parallel_loop3A_251 = arith.index_cast %parallel_loop3A_250 : i32 to index
        %parallel_loop3A_252 = tpu.vector_load %arg7[%parallel_loop3A_251] {strides = array<i32>} : memref<12800xi32, #tpu.memory_space<vmem>>, vector<16xi32>,
        %parallel_loop3A_253 = tpu.vector_load_idx %arg5[%parallel_loop3A_252] : memref<32768xf32, #tpu.memory_space<vmem>>[vector<16xi32>], vector<16xf32>,
        %parallel_loop3A_254 = arith.index_cast %parallel_loop3A_250 : i32 to index
        %parallel_loop3A_255 = tpu.vector_load %arg11[%parallel_loop3A_254] {strides = array<i32>} : memref<12800xf32, #tpu.memory_space<vmem>>, vector<16xf32>,
        tpu.vector_store %arg11[%parallel_loop3A_254], %parallel_loop3A_253 {strides = array<i32>} : memref<12800xf32, #tpu.memory_space<vmem>>, vector<16xf32>,
      } {sc.loop_unroll_factor = 8 : i64, sc.parallel_access}
      %dma_wait3A_98 = arith.constant 0 : i32
      %dma_wait3A_99 = tpu.memref_slice %arg6[%dma_wait3A_98] : memref<32768xf32, #tpu.memory_space<vmem_shared>> -> memref<32768xf32, #tpu.memory_space<vmem_shared>>
      tpu.wait_indirect_dma semaphore(%arg25 : memref<!tpu.dma_semaphore, #tpu.memory_space<semaphore_mem>>) src(%dma_wait3A_99 : memref<32768xf32, #tpu.memory_space<vmem_shared>>) dst(%arg13 : memref<3584xf32, #tpu.memory_space<vmem>>)
      %mul3A_100 = arith.constant 2 : i32
      %mul3A_101 = arith.muli %add3A, %mul3A_100 : i32
      %jit3A = arith.constant 2 : i32
      %div3A = arith.divsi %add3A_70, %jit3A : i32
      %sign3A = arith.constant 0 : i32
      %sign3A_102 = arith.cmpi sgt, %add3A_70, %sign3A : i32
      %sign3A_103 = arith.extui %sign3A_102 : i1 to i32
      %sign3A_104 = arith.constant 0 : i32
      %sign3A_105 = arith.cmpi slt, %add3A_70, %sign3A_104 : i32
      %sign3A_106 = arith.extui %sign3A_105 : i1 to i32
      %sign3A_107 = arith.subi %sign3A_103, %sign3A_106 : i32
      %sign3A_108 = arith.constant 0 : i32
      %sign3A_109 = arith.cmpi sgt, %jit3A, %sign3A_108 : i32
      %sign3A_110 = arith.extui %sign3A_109 : i1 to i32
      %sign3A_111 = arith.constant 0 : i32
      %sign3A_112 = arith.cmpi slt, %jit3A, %sign3A_111 : i32
      %sign3A_113 = arith.extui %sign3A_112 : i1 to i32
      %sign3A_114 = arith.subi %sign3A_110, %sign3A_113 : i32
      %ne3A = arith.cmpi ne, %sign3A_107, %sign3A_114 : i32
      %rem3A = arith.remsi %add3A_70, %jit3A : i32
      %ne3A_115 = arith.constant 0 : i32
      %ne3A_116 = arith.cmpi ne, %rem3A, %ne3A_115 : i32
      %and3A = arith.andi %ne3A, %ne3A_116 : i1
      %sub3A = arith.constant 1 : i32
      %sub3A_117 = arith.subi %div3A, %sub3A : i32
      %select_n3A = arith.select %and3A, %sub3A_117, %div3A : i32
      %add3A_118 = arith.addi %mul3A_101, %select_n3A : i32
      %jit3A_119 = arith.constant 2 : i32
      %eq3A_120 = arith.constant 0 : i32
      %eq3A_121 = arith.cmpi eq, %jit3A_119, %eq3A_120 : i32
      %jit3A_122 = arith.constant 1 : i32
      %select_n3A_123 = arith.select %eq3A_121, %jit3A_122, %jit3A_119 : i32
      %rem3A_124 = arith.remsi %add3A_70, %select_n3A_123 : i32
      %ne3A_125 = arith.constant 0 : i32
      %ne3A_126 = arith.cmpi ne, %rem3A_124, %ne3A_125 : i32
      %lt3A = arith.constant 0 : i32
      %lt3A_127 = arith.cmpi slt, %rem3A_124, %lt3A : i32
      %lt3A_128 = arith.constant 0 : i32
      %lt3A_129 = arith.cmpi slt, %select_n3A_123, %lt3A_128 : i32
      %ne3A_130 = arith.xori %lt3A_127, %lt3A_129 : i1
      %and3A_131 = arith.andi %ne3A_130, %ne3A_126 : i1
      %add3A_132 = arith.addi %rem3A_124, %select_n3A_123 : i32
      %select_n3A_133 = arith.select %and3A_131, %add3A_132, %rem3A_124 : i32
      %mul3A_134 = arith.constant 16384 : i32
      %mul3A_135 = arith.muli %select_n3A_133, %mul3A_134 : i32
      %dma_start3A_136 = tpu.memref_slice %arg4[%add3A_118, %mul3A_135] : memref<64x32768xf32, #tpu.memory_space<hbm>> -> memref<1x3584xf32, #tpu.memory_space<hbm>>
      %dma_start3A_137 = tpu.memref_squeeze %dma_start3A_136 : memref<1x3584xf32, #tpu.memory_space<hbm>> -> memref<3584xf32, #tpu.memory_space<hbm>>
      %dma_start3A_138 = tpu.memref_slice %arg4[%add3A_118, %mul3A_135] : memref<64x32768xf32, #tpu.memory_space<hbm>> -> memref<1x3584xf32, #tpu.memory_space<hbm>>
      %dma_start3A_139 = tpu.memref_squeeze %dma_start3A_138 : memref<1x3584xf32, #tpu.memory_space<hbm>> -> memref<3584xf32, #tpu.memory_space<hbm>>
      tpu.enqueue_dma source(%arg13 : memref<3584xf32, #tpu.memory_space<vmem>>) target(%dma_start3A_139 : memref<3584xf32, #tpu.memory_space<hbm>>) target_semaphore(%arg23 : memref<!tpu.dma_semaphore, #tpu.memory_space<semaphore_mem>>)
      %add3A_140 = arith.constant 3584 : i32
      %add3A_141 = arith.addi %mul3A_135, %add3A_140 : i32
      %dma_start3A_142 = tpu.memref_slice %arg4[%add3A_118, %add3A_141] : memref<64x32768xf32, #tpu.memory_space<hbm>> -> memref<1x12800xf32, #tpu.memory_space<hbm>>
      %dma_start3A_143 = tpu.memref_squeeze %dma_start3A_142 : memref<1x12800xf32, #tpu.memory_space<hbm>> -> memref<12800xf32, #tpu.memory_space<hbm>>
      %dma_start3A_144 = tpu.memref_slice %arg4[%add3A_118, %add3A_141] : memref<64x32768xf32, #tpu.memory_space<hbm>> -> memref<1x12800xf32, #tpu.memory_space<hbm>>
      %dma_start3A_145 = tpu.memref_squeeze %dma_start3A_144 : memref<1x12800xf32, #tpu.memory_space<hbm>> -> memref<12800xf32, #tpu.memory_space<hbm>>
      tpu.enqueue_dma source(%arg11 : memref<12800xf32, #tpu.memory_space<vmem>>) target(%dma_start3A_145 : memref<12800xf32, #tpu.memory_space<hbm>>) target_semaphore(%arg21 : memref<!tpu.dma_semaphore, #tpu.memory_space<semaphore_mem>>)
      %add3A_146 = arith.constant 2 : i32
      %add3A_147 = arith.addi %add3A_70, %add3A_146 : i32
      %lt3A_148 = arith.constant 4 : i32
      %lt3A_149 = arith.cmpi slt, %add3A_147, %lt3A_148 : i32
      %convert_element_type3A_150 = arith.extui %lt3A_149 : i1 to i32
      %cond3A_151 = arith.constant 0 : i32
      %cond3A_152 = arith.cmpi ne, %convert_element_type3A_150, %cond3A_151 : i32
      scf.if %cond3A_152 {
        %add3A_250 = arith.constant 2 : i32
        %add3A_251 = arith.addi %add3A_70, %add3A_250 : i32
        %mul3A_252 = arith.constant 2 : i32
        %mul3A_253 = arith.muli %add3A, %mul3A_252 : i32
        %jit3A_254 = arith.constant 2 : i32
        %div3A_255 = arith.divsi %add3A_251, %jit3A_254 : i32
        %sign3A_256 = arith.constant 0 : i32
        %sign3A_257 = arith.cmpi sgt, %add3A_251, %sign3A_256 : i32
        %sign3A_258 = arith.extui %sign3A_257 : i1 to i32
        %sign3A_259 = arith.constant 0 : i32
        %sign3A_260 = arith.cmpi slt, %add3A_251, %sign3A_259 : i32
        %sign3A_261 = arith.extui %sign3A_260 : i1 to i32
        %sign3A_262 = arith.subi %sign3A_258, %sign3A_261 : i32
        %sign3A_263 = arith.constant 0 : i32
        %sign3A_264 = arith.cmpi sgt, %jit3A_254, %sign3A_263 : i32
        %sign3A_265 = arith.extui %sign3A_264 : i1 to i32
        %sign3A_266 = arith.constant 0 : i32
        %sign3A_267 = arith.cmpi slt, %jit3A_254, %sign3A_266 : i32
        %sign3A_268 = arith.extui %sign3A_267 : i1 to i32
        %sign3A_269 = arith.subi %sign3A_265, %sign3A_268 : i32
        %ne3A_270 = arith.cmpi ne, %sign3A_262, %sign3A_269 : i32
        %rem3A_271 = arith.remsi %add3A_251, %jit3A_254 : i32
        %ne3A_272 = arith.constant 0 : i32
        %ne3A_273 = arith.cmpi ne, %rem3A_271, %ne3A_272 : i32
        %and3A_274 = arith.andi %ne3A_270, %ne3A_273 : i1
        %sub3A_275 = arith.constant 1 : i32
        %sub3A_276 = arith.subi %div3A_255, %sub3A_275 : i32
        %select_n3A_277 = arith.select %and3A_274, %sub3A_276, %div3A_255 : i32
        %add3A_278 = arith.addi %mul3A_253, %select_n3A_277 : i32
        %jit3A_279 = arith.constant 2 : i32
        %eq3A_280 = arith.constant 0 : i32
        %eq3A_281 = arith.cmpi eq, %jit3A_279, %eq3A_280 : i32
        %jit3A_282 = arith.constant 1 : i32
        %select_n3A_283 = arith.select %eq3A_281, %jit3A_282, %jit3A_279 : i32
        %rem3A_284 = arith.remsi %add3A_251, %select_n3A_283 : i32
        %ne3A_285 = arith.constant 0 : i32
        %ne3A_286 = arith.cmpi ne, %rem3A_284, %ne3A_285 : i32
        %lt3A_287 = arith.constant 0 : i32
        %lt3A_288 = arith.cmpi slt, %rem3A_284, %lt3A_287 : i32
        %lt3A_289 = arith.constant 0 : i32
        %lt3A_290 = arith.cmpi slt, %select_n3A_283, %lt3A_289 : i32
        %ne3A_291 = arith.xori %lt3A_288, %lt3A_290 : i1
        %and3A_292 = arith.andi %ne3A_291, %ne3A_286 : i1
        %add3A_293 = arith.addi %rem3A_284, %select_n3A_283 : i32
        %select_n3A_294 = arith.select %and3A_292, %add3A_293, %rem3A_284 : i32
        %mul3A_295 = arith.constant 16384 : i32
        %mul3A_296 = arith.muli %select_n3A_294, %mul3A_295 : i32
        %dma_start3A_297 = tpu.memref_slice %arg3[%add3A_278, %mul3A_296] : memref<64x32768xi32, #tpu.memory_space<hbm>> -> memref<1x3584xi32, #tpu.memory_space<hbm>>
        %dma_start3A_298 = tpu.memref_squeeze %dma_start3A_297 : memref<1x3584xi32, #tpu.memory_space<hbm>> -> memref<3584xi32, #tpu.memory_space<hbm>>
        %dma_start3A_299 = tpu.memref_slice %arg3[%add3A_278, %mul3A_296] : memref<64x32768xi32, #tpu.memory_space<hbm>> -> memref<1x3584xi32, #tpu.memory_space<hbm>>
        %dma_start3A_300 = tpu.memref_squeeze %dma_start3A_299 : memref<1x3584xi32, #tpu.memory_space<hbm>> -> memref<3584xi32, #tpu.memory_space<hbm>>
        tpu.enqueue_dma source(%dma_start3A_300 : memref<3584xi32, #tpu.memory_space<hbm>>) target(%arg9 : memref<3584xi32, #tpu.memory_space<vmem>>) target_semaphore(%arg19 : memref<!tpu.dma_semaphore, #tpu.memory_space<semaphore_mem>>)
        %add3A_301 = arith.constant 3584 : i32
        %add3A_302 = arith.addi %mul3A_296, %add3A_301 : i32
        %dma_start3A_303 = tpu.memref_slice %arg3[%add3A_278, %add3A_302] : memref<64x32768xi32, #tpu.memory_space<hbm>> -> memref<1x12800xi32, #tpu.memory_space<hbm>>
        %dma_start3A_304 = tpu.memref_squeeze %dma_start3A_303 : memref<1x12800xi32, #tpu.memory_space<hbm>> -> memref<12800xi32, #tpu.memory_space<hbm>>
        %dma_start3A_305 = tpu.memref_slice %arg3[%add3A_278, %add3A_302] : memref<64x32768xi32, #tpu.memory_space<hbm>> -> memref<1x12800xi32, #tpu.memory_space<hbm>>
        %dma_start3A_306 = tpu.memref_squeeze %dma_start3A_305 : memref<1x12800xi32, #tpu.memory_space<hbm>> -> memref<12800xi32, #tpu.memory_space<hbm>>
        tpu.enqueue_dma source(%dma_start3A_306 : memref<12800xi32, #tpu.memory_space<hbm>>) target(%arg7 : memref<12800xi32, #tpu.memory_space<vmem>>) target_semaphore(%arg17 : memref<!tpu.dma_semaphore, #tpu.memory_space<semaphore_mem>>)
      } else {
      }
      %mul3A_153 = arith.constant 2 : i32
      %mul3A_154 = arith.muli %scan3A_66, %mul3A_153 : i32
      %add3A_155 = arith.constant 1 : i32
      %add3A_156 = arith.addi %mul3A_154, %add3A_155 : i32
      %dma_wait3A_157 = arith.constant 0 : i32
      %dma_wait3A_158 = arith.constant 0 : i32
      %dma_wait3A_159 = tpu.memref_slice %arg3[%dma_wait3A_157, %dma_wait3A_158] : memref<64x32768xi32, #tpu.memory_space<hbm>> -> memref<1x3584xi32, #tpu.memory_space<hbm>>
      %dma_wait3A_160 = tpu.memref_squeeze %dma_wait3A_159 : memref<1x3584xi32, #tpu.memory_space<hbm>> -> memref<3584xi32, #tpu.memory_space<hbm>>
      %dma_wait3A_161 = arith.constant 0 : i32
      %dma_wait3A_162 = tpu.memref_slice %arg3[%dma_wait3A_157, %dma_wait3A_161] : memref<64x32768xi32, #tpu.memory_space<hbm>> -> memref<1x3584xi32, #tpu.memory_space<hbm>>
      %dma_wait3A_163 = tpu.memref_squeeze %dma_wait3A_162 : memref<1x3584xi32, #tpu.memory_space<hbm>> -> memref<3584xi32, #tpu.memory_space<hbm>>
      tpu.wait_dma2 semaphore(%arg20 : memref<!tpu.dma_semaphore, #tpu.memory_space<semaphore_mem>>) src(%dma_wait3A_163 : memref<3584xi32, #tpu.memory_space<hbm>>) dst(%arg10 : memref<3584xi32, #tpu.memory_space<vmem>>)
      %ge3A_164 = arith.constant 2 : i32
      %ge3A_165 = arith.cmpi sge, %add3A_156, %ge3A_164 : i32
      %convert_element_type3A_166 = arith.extui %ge3A_165 : i1 to i32
      %cond3A_167 = arith.constant 0 : i32
      %cond3A_168 = arith.cmpi ne, %convert_element_type3A_166, %cond3A_167 : i32
      scf.if %cond3A_168 {
        %dma_wait3A_250 = arith.constant 0 : i32
        %dma_wait3A_251 = arith.constant 0 : i32
        %dma_wait3A_252 = tpu.memref_slice %arg4[%dma_wait3A_250, %dma_wait3A_251] : memref<64x32768xf32, #tpu.memory_space<hbm>> -> memref<1x3584xf32, #tpu.memory_space<hbm>>
        %dma_wait3A_253 = tpu.memref_squeeze %dma_wait3A_252 : memref<1x3584xf32, #tpu.memory_space<hbm>> -> memref<3584xf32, #tpu.memory_space<hbm>>
        %dma_wait3A_254 = arith.constant 0 : i32
        %dma_wait3A_255 = tpu.memref_slice %arg4[%dma_wait3A_250, %dma_wait3A_254] : memref<64x32768xf32, #tpu.memory_space<hbm>> -> memref<1x3584xf32, #tpu.memory_space<hbm>>
        %dma_wait3A_256 = tpu.memref_squeeze %dma_wait3A_255 : memref<1x3584xf32, #tpu.memory_space<hbm>> -> memref<3584xf32, #tpu.memory_space<hbm>>
        tpu.wait_dma2 semaphore(%arg24 : memref<!tpu.dma_semaphore, #tpu.memory_space<semaphore_mem>>) src(%arg14 : memref<3584xf32, #tpu.memory_space<vmem>>) dst(%dma_wait3A_256 : memref<3584xf32, #tpu.memory_space<hbm>>)
      } else {
      }
      %dma_start3A_169 = arith.constant 0 : i32
      %dma_start3A_170 = tpu.memref_slice %arg6[%dma_start3A_169] : memref<32768xf32, #tpu.memory_space<vmem_shared>> -> memref<32768xf32, #tpu.memory_space<vmem_shared>>
      tpu.enqueue_indirect_dma source(%dma_start3A_170 : memref<32768xf32, #tpu.memory_space<vmem_shared>>) target(%arg14 : memref<3584xf32, #tpu.memory_space<vmem>>) offsets(%arg10 : memref<3584xi32, #tpu.memory_space<vmem>>) semaphore(%arg26 : memref<!tpu.dma_semaphore, #tpu.memory_space<semaphore_mem>>)
      %dma_wait3A_171 = arith.constant 0 : i32
      %dma_wait3A_172 = arith.constant 0 : i32
      %dma_wait3A_173 = tpu.memref_slice %arg3[%dma_wait3A_171, %dma_wait3A_172] : memref<64x32768xi32, #tpu.memory_space<hbm>> -> memref<1x12800xi32, #tpu.memory_space<hbm>>
      %dma_wait3A_174 = tpu.memref_squeeze %dma_wait3A_173 : memref<1x12800xi32, #tpu.memory_space<hbm>> -> memref<12800xi32, #tpu.memory_space<hbm>>
      %dma_wait3A_175 = arith.constant 0 : i32
      %dma_wait3A_176 = tpu.memref_slice %arg3[%dma_wait3A_171, %dma_wait3A_175] : memref<64x32768xi32, #tpu.memory_space<hbm>> -> memref<1x12800xi32, #tpu.memory_space<hbm>>
      %dma_wait3A_177 = tpu.memref_squeeze %dma_wait3A_176 : memref<1x12800xi32, #tpu.memory_space<hbm>> -> memref<12800xi32, #tpu.memory_space<hbm>>
      tpu.wait_dma2 semaphore(%arg18 : memref<!tpu.dma_semaphore, #tpu.memory_space<semaphore_mem>>) src(%dma_wait3A_177 : memref<12800xi32, #tpu.memory_space<hbm>>) dst(%arg8 : memref<12800xi32, #tpu.memory_space<vmem>>)
      %ge3A_178 = arith.constant 2 : i32
      %ge3A_179 = arith.cmpi sge, %add3A_156, %ge3A_178 : i32
      %convert_element_type3A_180 = arith.extui %ge3A_179 : i1 to i32
      %cond3A_181 = arith.constant 0 : i32
      %cond3A_182 = arith.cmpi ne, %convert_element_type3A_180, %cond3A_181 : i32
      scf.if %cond3A_182 {
        %dma_wait3A_250 = arith.constant 0 : i32
        %dma_wait3A_251 = arith.constant 0 : i32
        %dma_wait3A_252 = tpu.memref_slice %arg4[%dma_wait3A_250, %dma_wait3A_251] : memref<64x32768xf32, #tpu.memory_space<hbm>> -> memref<1x12800xf32, #tpu.memory_space<hbm>>
        %dma_wait3A_253 = tpu.memref_squeeze %dma_wait3A_252 : memref<1x12800xf32, #tpu.memory_space<hbm>> -> memref<12800xf32, #tpu.memory_space<hbm>>
        %dma_wait3A_254 = arith.constant 0 : i32
        %dma_wait3A_255 = tpu.memref_slice %arg4[%dma_wait3A_250, %dma_wait3A_254] : memref<64x32768xf32, #tpu.memory_space<hbm>> -> memref<1x12800xf32, #tpu.memory_space<hbm>>
        %dma_wait3A_256 = tpu.memref_squeeze %dma_wait3A_255 : memref<1x12800xf32, #tpu.memory_space<hbm>> -> memref<12800xf32, #tpu.memory_space<hbm>>
        tpu.wait_dma2 semaphore(%arg22 : memref<!tpu.dma_semaphore, #tpu.memory_space<semaphore_mem>>) src(%arg12 : memref<12800xf32, #tpu.memory_space<vmem>>) dst(%dma_wait3A_256 : memref<12800xf32, #tpu.memory_space<hbm>>)
      } else {
      }
      %parallel_loop3A_183 = arith.constant 0 : i32
      %parallel_loop3A_184 = arith.constant 12800 : i32
      %parallel_loop3A_185 = arith.constant 16 : i32
      scf.for %parallel_loop3A_250 = %parallel_loop3A_183 to %parallel_loop3A_184 step %parallel_loop3A_185  : i32 {
        %parallel_loop3A_251 = arith.index_cast %parallel_loop3A_250 : i32 to index
        %parallel_loop3A_252 = tpu.vector_load %arg8[%parallel_loop3A_251] {strides = array<i32>} : memref<12800xi32, #tpu.memory_space<vmem>>, vector<16xi32>,
        %parallel_loop3A_253 = tpu.vector_load_idx %arg5[%parallel_loop3A_252] : memref<32768xf32, #tpu.memory_space<vmem>>[vector<16xi32>], vector<16xf32>,
        %parallel_loop3A_254 = arith.index_cast %parallel_loop3A_250 : i32 to index
        %parallel_loop3A_255 = tpu.vector_load %arg12[%parallel_loop3A_254] {strides = array<i32>} : memref<12800xf32, #tpu.memory_space<vmem>>, vector<16xf32>,
        tpu.vector_store %arg12[%parallel_loop3A_254], %parallel_loop3A_253 {strides = array<i32>} : memref<12800xf32, #tpu.memory_space<vmem>>, vector<16xf32>,
      } {sc.loop_unroll_factor = 8 : i64, sc.parallel_access}
      %dma_wait3A_186 = arith.constant 0 : i32
      %dma_wait3A_187 = tpu.memref_slice %arg6[%dma_wait3A_186] : memref<32768xf32, #tpu.memory_space<vmem_shared>> -> memref<32768xf32, #tpu.memory_space<vmem_shared>>
      tpu.wait_indirect_dma semaphore(%arg26 : memref<!tpu.dma_semaphore, #tpu.memory_space<semaphore_mem>>) src(%dma_wait3A_187 : memref<32768xf32, #tpu.memory_space<vmem_shared>>) dst(%arg14 : memref<3584xf32, #tpu.memory_space<vmem>>)
      %mul3A_188 = arith.constant 2 : i32
      %mul3A_189 = arith.muli %add3A, %mul3A_188 : i32
      %jit3A_190 = arith.constant 2 : i32
      %div3A_191 = arith.divsi %add3A_156, %jit3A_190 : i32
      %sign3A_192 = arith.constant 0 : i32
      %sign3A_193 = arith.cmpi sgt, %add3A_156, %sign3A_192 : i32
      %sign3A_194 = arith.extui %sign3A_193 : i1 to i32
      %sign3A_195 = arith.constant 0 : i32
      %sign3A_196 = arith.cmpi slt, %add3A_156, %sign3A_195 : i32
      %sign3A_197 = arith.extui %sign3A_196 : i1 to i32
      %sign3A_198 = arith.subi %sign3A_194, %sign3A_197 : i32
      %sign3A_199 = arith.constant 0 : i32
      %sign3A_200 = arith.cmpi sgt, %jit3A_190, %sign3A_199 : i32
      %sign3A_201 = arith.extui %sign3A_200 : i1 to i32
      %sign3A_202 = arith.constant 0 : i32
      %sign3A_203 = arith.cmpi slt, %jit3A_190, %sign3A_202 : i32
      %sign3A_204 = arith.extui %sign3A_203 : i1 to i32
      %sign3A_205 = arith.subi %sign3A_201, %sign3A_204 : i32
      %ne3A_206 = arith.cmpi ne, %sign3A_198, %sign3A_205 : i32
      %rem3A_207 = arith.remsi %add3A_156, %jit3A_190 : i32
      %ne3A_208 = arith.constant 0 : i32
      %ne3A_209 = arith.cmpi ne, %rem3A_207, %ne3A_208 : i32
      %and3A_210 = arith.andi %ne3A_206, %ne3A_209 : i1
      %sub3A_211 = arith.constant 1 : i32
      %sub3A_212 = arith.subi %div3A_191, %sub3A_211 : i32
      %select_n3A_213 = arith.select %and3A_210, %sub3A_212, %div3A_191 : i32
      %add3A_214 = arith.addi %mul3A_189, %select_n3A_213 : i32
      %jit3A_215 = arith.constant 2 : i32
      %eq3A_216 = arith.constant 0 : i32
      %eq3A_217 = arith.cmpi eq, %jit3A_215, %eq3A_216 : i32
      %jit3A_218 = arith.constant 1 : i32
      %select_n3A_219 = arith.select %eq3A_217, %jit3A_218, %jit3A_215 : i32
      %rem3A_220 = arith.remsi %add3A_156, %select_n3A_219 : i32
      %ne3A_221 = arith.constant 0 : i32
      %ne3A_222 = arith.cmpi ne, %rem3A_220, %ne3A_221 : i32
      %lt3A_223 = arith.constant 0 : i32
      %lt3A_224 = arith.cmpi slt, %rem3A_220, %lt3A_223 : i32
      %lt3A_225 = arith.constant 0 : i32
      %lt3A_226 = arith.cmpi slt, %select_n3A_219, %lt3A_225 : i32
      %ne3A_227 = arith.xori %lt3A_224, %lt3A_226 : i1
      %and3A_228 = arith.andi %ne3A_227, %ne3A_222 : i1
      %add3A_229 = arith.addi %rem3A_220, %select_n3A_219 : i32
      %select_n3A_230 = arith.select %and3A_228, %add3A_229, %rem3A_220 : i32
      %mul3A_231 = arith.constant 16384 : i32
      %mul3A_232 = arith.muli %select_n3A_230, %mul3A_231 : i32
      %dma_start3A_233 = tpu.memref_slice %arg4[%add3A_214, %mul3A_232] : memref<64x32768xf32, #tpu.memory_space<hbm>> -> memref<1x3584xf32, #tpu.memory_space<hbm>>
      %dma_start3A_234 = tpu.memref_squeeze %dma_start3A_233 : memref<1x3584xf32, #tpu.memory_space<hbm>> -> memref<3584xf32, #tpu.memory_space<hbm>>
      %dma_start3A_235 = tpu.memref_slice %arg4[%add3A_214, %mul3A_232] : memref<64x32768xf32, #tpu.memory_space<hbm>> -> memref<1x3584xf32, #tpu.memory_space<hbm>>
      %dma_start3A_236 = tpu.memref_squeeze %dma_start3A_235 : memref<1x3584xf32, #tpu.memory_space<hbm>> -> memref<3584xf32, #tpu.memory_space<hbm>>
      tpu.enqueue_dma source(%arg14 : memref<3584xf32, #tpu.memory_space<vmem>>) target(%dma_start3A_236 : memref<3584xf32, #tpu.memory_space<hbm>>) target_semaphore(%arg24 : memref<!tpu.dma_semaphore, #tpu.memory_space<semaphore_mem>>)
      %add3A_237 = arith.constant 3584 : i32
      %add3A_238 = arith.addi %mul3A_232, %add3A_237 : i32
      %dma_start3A_239 = tpu.memref_slice %arg4[%add3A_214, %add3A_238] : memref<64x32768xf32, #tpu.memory_space<hbm>> -> memref<1x12800xf32, #tpu.memory_space<hbm>>
      %dma_start3A_240 = tpu.memref_squeeze %dma_start3A_239 : memref<1x12800xf32, #tpu.memory_space<hbm>> -> memref<12800xf32, #tpu.memory_space<hbm>>
      %dma_start3A_241 = tpu.memref_slice %arg4[%add3A_214, %add3A_238] : memref<64x32768xf32, #tpu.memory_space<hbm>> -> memref<1x12800xf32, #tpu.memory_space<hbm>>
      %dma_start3A_242 = tpu.memref_squeeze %dma_start3A_241 : memref<1x12800xf32, #tpu.memory_space<hbm>> -> memref<12800xf32, #tpu.memory_space<hbm>>
      tpu.enqueue_dma source(%arg12 : memref<12800xf32, #tpu.memory_space<vmem>>) target(%dma_start3A_242 : memref<12800xf32, #tpu.memory_space<hbm>>) target_semaphore(%arg22 : memref<!tpu.dma_semaphore, #tpu.memory_space<semaphore_mem>>)
      %add3A_243 = arith.constant 2 : i32
      %add3A_244 = arith.addi %add3A_156, %add3A_243 : i32
      %lt3A_245 = arith.constant 4 : i32
      %lt3A_246 = arith.cmpi slt, %add3A_244, %lt3A_245 : i32
      %convert_element_type3A_247 = arith.extui %lt3A_246 : i1 to i32
      %cond3A_248 = arith.constant 0 : i32
      %cond3A_249 = arith.cmpi ne, %convert_element_type3A_247, %cond3A_248 : i32
      scf.if %cond3A_249 {
        %add3A_250 = arith.constant 2 : i32
        %add3A_251 = arith.addi %add3A_156, %add3A_250 : i32
        %mul3A_252 = arith.constant 2 : i32
        %mul3A_253 = arith.muli %add3A, %mul3A_252 : i32
        %jit3A_254 = arith.constant 2 : i32
        %div3A_255 = arith.divsi %add3A_251, %jit3A_254 : i32
        %sign3A_256 = arith.constant 0 : i32
        %sign3A_257 = arith.cmpi sgt, %add3A_251, %sign3A_256 : i32
        %sign3A_258 = arith.extui %sign3A_257 : i1 to i32
        %sign3A_259 = arith.constant 0 : i32
        %sign3A_260 = arith.cmpi slt, %add3A_251, %sign3A_259 : i32
        %sign3A_261 = arith.extui %sign3A_260 : i1 to i32
        %sign3A_262 = arith.subi %sign3A_258, %sign3A_261 : i32
        %sign3A_263 = arith.constant 0 : i32
        %sign3A_264 = arith.cmpi sgt, %jit3A_254, %sign3A_263 : i32
        %sign3A_265 = arith.extui %sign3A_264 : i1 to i32
        %sign3A_266 = arith.constant 0 : i32
        %sign3A_267 = arith.cmpi slt, %jit3A_254, %sign3A_266 : i32
        %sign3A_268 = arith.extui %sign3A_267 : i1 to i32
        %sign3A_269 = arith.subi %sign3A_265, %sign3A_268 : i32
        %ne3A_270 = arith.cmpi ne, %sign3A_262, %sign3A_269 : i32
        %rem3A_271 = arith.remsi %add3A_251, %jit3A_254 : i32
        %ne3A_272 = arith.constant 0 : i32
        %ne3A_273 = arith.cmpi ne, %rem3A_271, %ne3A_272 : i32
        %and3A_274 = arith.andi %ne3A_270, %ne3A_273 : i1
        %sub3A_275 = arith.constant 1 : i32
        %sub3A_276 = arith.subi %div3A_255, %sub3A_275 : i32
        %select_n3A_277 = arith.select %and3A_274, %sub3A_276, %div3A_255 : i32
        %add3A_278 = arith.addi %mul3A_253, %select_n3A_277 : i32
        %jit3A_279 = arith.constant 2 : i32
        %eq3A_280 = arith.constant 0 : i32
        %eq3A_281 = arith.cmpi eq, %jit3A_279, %eq3A_280 : i32
        %jit3A_282 = arith.constant 1 : i32
        %select_n3A_283 = arith.select %eq3A_281, %jit3A_282, %jit3A_279 : i32
        %rem3A_284 = arith.remsi %add3A_251, %select_n3A_283 : i32
        %ne3A_285 = arith.constant 0 : i32
        %ne3A_286 = arith.cmpi ne, %rem3A_284, %ne3A_285 : i32
        %lt3A_287 = arith.constant 0 : i32
        %lt3A_288 = arith.cmpi slt, %rem3A_284, %lt3A_287 : i32
        %lt3A_289 = arith.constant 0 : i32
        %lt3A_290 = arith.cmpi slt, %select_n3A_283, %lt3A_289 : i32
        %ne3A_291 = arith.xori %lt3A_288, %lt3A_290 : i1
        %and3A_292 = arith.andi %ne3A_291, %ne3A_286 : i1
        %add3A_293 = arith.addi %rem3A_284, %select_n3A_283 : i32
        %select_n3A_294 = arith.select %and3A_292, %add3A_293, %rem3A_284 : i32
        %mul3A_295 = arith.constant 16384 : i32
        %mul3A_296 = arith.muli %select_n3A_294, %mul3A_295 : i32
        %dma_start3A_297 = tpu.memref_slice %arg3[%add3A_278, %mul3A_296] : memref<64x32768xi32, #tpu.memory_space<hbm>> -> memref<1x3584xi32, #tpu.memory_space<hbm>>
        %dma_start3A_298 = tpu.memref_squeeze %dma_start3A_297 : memref<1x3584xi32, #tpu.memory_space<hbm>> -> memref<3584xi32, #tpu.memory_space<hbm>>
        %dma_start3A_299 = tpu.memref_slice %arg3[%add3A_278, %mul3A_296] : memref<64x32768xi32, #tpu.memory_space<hbm>> -> memref<1x3584xi32, #tpu.memory_space<hbm>>
        %dma_start3A_300 = tpu.memref_squeeze %dma_start3A_299 : memref<1x3584xi32, #tpu.memory_space<hbm>> -> memref<3584xi32, #tpu.memory_space<hbm>>
        tpu.enqueue_dma source(%dma_start3A_300 : memref<3584xi32, #tpu.memory_space<hbm>>) target(%arg10 : memref<3584xi32, #tpu.memory_space<vmem>>) target_semaphore(%arg20 : memref<!tpu.dma_semaphore, #tpu.memory_space<semaphore_mem>>)
        %add3A_301 = arith.constant 3584 : i32
        %add3A_302 = arith.addi %mul3A_296, %add3A_301 : i32
        %dma_start3A_303 = tpu.memref_slice %arg3[%add3A_278, %add3A_302] : memref<64x32768xi32, #tpu.memory_space<hbm>> -> memref<1x12800xi32, #tpu.memory_space<hbm>>
        %dma_start3A_304 = tpu.memref_squeeze %dma_start3A_303 : memref<1x12800xi32, #tpu.memory_space<hbm>> -> memref<12800xi32, #tpu.memory_space<hbm>>
        %dma_start3A_305 = tpu.memref_slice %arg3[%add3A_278, %add3A_302] : memref<64x32768xi32, #tpu.memory_space<hbm>> -> memref<1x12800xi32, #tpu.memory_space<hbm>>
        %dma_start3A_306 = tpu.memref_squeeze %dma_start3A_305 : memref<1x12800xi32, #tpu.memory_space<hbm>> -> memref<12800xi32, #tpu.memory_space<hbm>>
        tpu.enqueue_dma source(%dma_start3A_306 : memref<12800xi32, #tpu.memory_space<hbm>>) target(%arg8 : memref<12800xi32, #tpu.memory_space<vmem>>) target_semaphore(%arg18 : memref<!tpu.dma_semaphore, #tpu.memory_space<semaphore_mem>>)
      } else {
      }
    }
    %scan3A_38 = arith.constant 2 : i32
    %dma_wait3A = arith.constant 0 : i32
    %dma_wait3A_39 = arith.constant 0 : i32
    %dma_wait3A_40 = tpu.memref_slice %arg4[%dma_wait3A, %dma_wait3A_39] : memref<64x32768xf32, #tpu.memory_space<hbm>> -> memref<1x3584xf32, #tpu.memory_space<hbm>>
    %dma_wait3A_41 = tpu.memref_squeeze %dma_wait3A_40 : memref<1x3584xf32, #tpu.memory_space<hbm>> -> memref<3584xf32, #tpu.memory_space<hbm>>
    %dma_wait3A_42 = arith.constant 0 : i32
    %dma_wait3A_43 = tpu.memref_slice %arg4[%dma_wait3A, %dma_wait3A_42] : memref<64x32768xf32, #tpu.memory_space<hbm>> -> memref<1x3584xf32, #tpu.memory_space<hbm>>
    %dma_wait3A_44 = tpu.memref_squeeze %dma_wait3A_43 : memref<1x3584xf32, #tpu.memory_space<hbm>> -> memref<3584xf32, #tpu.memory_space<hbm>>
    tpu.wait_dma2 semaphore(%arg23 : memref<!tpu.dma_semaphore, #tpu.memory_space<semaphore_mem>>) src(%arg13 : memref<3584xf32, #tpu.memory_space<vmem>>) dst(%dma_wait3A_44 : memref<3584xf32, #tpu.memory_space<hbm>>)
    %dma_wait3A_45 = arith.constant 0 : i32
    %dma_wait3A_46 = arith.constant 0 : i32
    %dma_wait3A_47 = tpu.memref_slice %arg4[%dma_wait3A_45, %dma_wait3A_46] : memref<64x32768xf32, #tpu.memory_space<hbm>> -> memref<1x12800xf32, #tpu.memory_space<hbm>>
    %dma_wait3A_48 = tpu.memref_squeeze %dma_wait3A_47 : memref<1x12800xf32, #tpu.memory_space<hbm>> -> memref<12800xf32, #tpu.memory_space<hbm>>
    %dma_wait3A_49 = arith.constant 0 : i32
    %dma_wait3A_50 = tpu.memref_slice %arg4[%dma_wait3A_45, %dma_wait3A_49] : memref<64x32768xf32, #tpu.memory_space<hbm>> -> memref<1x12800xf32, #tpu.memory_space<hbm>>
    %dma_wait3A_51 = tpu.memref_squeeze %dma_wait3A_50 : memref<1x12800xf32, #tpu.memory_space<hbm>> -> memref<12800xf32, #tpu.memory_space<hbm>>
    tpu.wait_dma2 semaphore(%arg21 : memref<!tpu.dma_semaphore, #tpu.memory_space<semaphore_mem>>) src(%arg11 : memref<12800xf32, #tpu.memory_space<vmem>>) dst(%dma_wait3A_51 : memref<12800xf32, #tpu.memory_space<hbm>>)
    %dma_wait3A_52 = arith.constant 0 : i32
    %dma_wait3A_53 = arith.constant 0 : i32
    %dma_wait3A_54 = tpu.memref_slice %arg4[%dma_wait3A_52, %dma_wait3A_53] : memref<64x32768xf32, #tpu.memory_space<hbm>> -> memref<1x3584xf32, #tpu.memory_space<hbm>>
    %dma_wait3A_55 = tpu.memref_squeeze %dma_wait3A_54 : memref<1x3584xf32, #tpu.memory_space<hbm>> -> memref<3584xf32, #tpu.memory_space<hbm>>
    %dma_wait3A_56 = arith.constant 0 : i32
    %dma_wait3A_57 = tpu.memref_slice %arg4[%dma_wait3A_52, %dma_wait3A_56] : memref<64x32768xf32, #tpu.memory_space<hbm>> -> memref<1x3584xf32, #tpu.memory_space<hbm>>
    %dma_wait3A_58 = tpu.memref_squeeze %dma_wait3A_57 : memref<1x3584xf32, #tpu.memory_space<hbm>> -> memref<3584xf32, #tpu.memory_space<hbm>>
    tpu.wait_dma2 semaphore(%arg24 : memref<!tpu.dma_semaphore, #tpu.memory_space<semaphore_mem>>) src(%arg14 : memref<3584xf32, #tpu.memory_space<vmem>>) dst(%dma_wait3A_58 : memref<3584xf32, #tpu.memory_space<hbm>>)
    %dma_wait3A_59 = arith.constant 0 : i32
    %dma_wait3A_60 = arith.constant 0 : i32
    %dma_wait3A_61 = tpu.memref_slice %arg4[%dma_wait3A_59, %dma_wait3A_60] : memref<64x32768xf32, #tpu.memory_space<hbm>> -> memref<1x12800xf32, #tpu.memory_space<hbm>>
    %dma_wait3A_62 = tpu.memref_squeeze %dma_wait3A_61 : memref<1x12800xf32, #tpu.memory_space<hbm>> -> memref<12800xf32, #tpu.memory_space<hbm>>
    %dma_wait3A_63 = arith.constant 0 : i32
    %dma_wait3A_64 = tpu.memref_slice %arg4[%dma_wait3A_59, %dma_wait3A_63] : memref<64x32768xf32, #tpu.memory_space<hbm>> -> memref<1x12800xf32, #tpu.memory_space<hbm>>
    %dma_wait3A_65 = tpu.memref_squeeze %dma_wait3A_64 : memref<1x12800xf32, #tpu.memory_space<hbm>> -> memref<12800xf32, #tpu.memory_space<hbm>>
    tpu.wait_dma2 semaphore(%arg22 : memref<!tpu.dma_semaphore, #tpu.memory_space<semaphore_mem>>) src(%arg12 : memref<12800xf32, #tpu.memory_space<vmem>>) dst(%dma_wait3A_65 : memref<12800xf32, #tpu.memory_space<hbm>>)
    return
  }
}

module attributes {stable_mosaic.version = 14 : i64} {
  func.func @_table_body(%arg0: memref<64xf32, #tpu.memory_space<smem>>, %arg1: memref<256x128xf32, #tpu.memory_space<vmem>>) attributes {dimension_semantics = [], scalar_prefetch = 0 : i64, scratch_operands = 0 : i64, tpu.core_type = #tpu.core_type<tc>} {
    %iota3A = tpu.iota {dimensions = array<i32: 0>} : vector<256x128xi32>
    %iota3A_0 = tpu.iota {dimensions = array<i32: 1>} : vector<256x128xi32>
    %mul3A = arith.constant 128 : i32
    %mul3A_1 = vector.broadcast %mul3A : i32 to vector<256x128xi32>
    %mul3A_2 = arith.muli %iota3A, %mul3A_1 : vector<256x128xi32>
    %add3A = arith.addi %mul3A_2, %iota3A_0 : vector<256x128xi32>
    %convert_element_type3A = arith.sitofp %add3A : vector<256x128xi32> to vector<256x128xf32>
    %sub3A = arith.constant 3.200000e+01 : f32
    %sub3A_3 = vector.broadcast %sub3A : f32 to vector<256x128xf32>
    %sub3A_4 = arith.subf %convert_element_type3A, %sub3A_3 : vector<256x128xf32>
    %jit3A = arith.constant 1.000000e+00 : f32
    %max3A = vector.broadcast %jit3A : f32 to vector<256x128xf32>
    %max3A_5 = arith.maximumf %max3A, %sub3A_4 : vector<256x128xf32>
    %log3A = math.log %max3A_5 : vector<256x128xf32>
    %mul3A_6 = arith.constant 3.100000e+01 : f32
    %mul3A_7 = vector.broadcast %mul3A_6 : f32 to vector<256x128xf32>
    %mul3A_8 = arith.mulf %mul3A_7, %log3A : vector<256x128xf32>
    %div3A = arith.constant 10.3962307 : f32
    %div3A_9 = vector.broadcast %div3A : f32 to vector<256x128xf32>
    %div3A_10 = arith.divf %mul3A_8, %div3A_9 : vector<256x128xf32>
    %add3A_11 = arith.constant 3.200000e+01 : f32
    %add3A_12 = vector.broadcast %add3A_11 : f32 to vector<256x128xf32>
    %add3A_13 = arith.addf %add3A_12, %div3A_10 : vector<256x128xf32>
    %lt3A = arith.constant 32 : i32
    %lt3A_14 = vector.broadcast %lt3A : i32 to vector<256x128xi32>
    %lt3A_15 = arith.cmpi slt, %add3A, %lt3A_14 : vector<256x128xi32>
    %convert_element_type3A_16 = arith.fptosi %add3A_13 : vector<256x128xf32> to vector<256x128xi32>
    %select_n3A = arith.select %lt3A_15, %add3A, %convert_element_type3A_16 : vector<256x128xi1>, vector<256x128xi32>
    %jit3A_17 = arith.constant 0 : i32
    %jit3A_18 = arith.constant 63 : i32
    %max3A_19 = vector.broadcast %jit3A_17 : i32 to vector<256x128xi32>
    %max3A_20 = arith.maxsi %max3A_19, %select_n3A : vector<256x128xi32>
    %min3A = vector.broadcast %jit3A_18 : i32 to vector<256x128xi32>
    %min3A_21 = arith.minsi %min3A, %max3A_20 : vector<256x128xi32>
    %broadcast_in_dim3A = arith.constant 0.000000e+00 : f32
    %broadcast_in_dim3A_22 = vector.broadcast %broadcast_in_dim3A : f32 to vector<256x128xf32>
    %eq3A = arith.constant 0 : i32
    %eq3A_23 = vector.broadcast %eq3A : i32 to vector<256x128xi32>
    %eq3A_24 = arith.cmpi eq, %min3A_21, %eq3A_23 : vector<256x128xi32>
    %get3A = arith.constant 0 : index
    %get3A_25 = memref.load %arg0[%get3A] : memref<64xf32, #tpu.memory_space<smem>>
    %broadcast_in_dim3A_26 = vector.broadcast %get3A_25 : f32 to vector<256x128xf32>
    %select_n3A_27 = arith.select %eq3A_24, %broadcast_in_dim3A_26, %broadcast_in_dim3A_22 : vector<256x128xi1>, vector<256x128xf32>
    %eq3A_28 = arith.constant 1 : i32
    %eq3A_29 = vector.broadcast %eq3A_28 : i32 to vector<256x128xi32>
    %eq3A_30 = arith.cmpi eq, %min3A_21, %eq3A_29 : vector<256x128xi32>
    %get3A_31 = arith.constant 1 : index
    %get3A_32 = memref.load %arg0[%get3A_31] : memref<64xf32, #tpu.memory_space<smem>>
    %broadcast_in_dim3A_33 = vector.broadcast %get3A_32 : f32 to vector<256x128xf32>
    %select_n3A_34 = arith.select %eq3A_30, %broadcast_in_dim3A_33, %select_n3A_27 : vector<256x128xi1>, vector<256x128xf32>
    %eq3A_35 = arith.constant 2 : i32
    %eq3A_36 = vector.broadcast %eq3A_35 : i32 to vector<256x128xi32>
    %eq3A_37 = arith.cmpi eq, %min3A_21, %eq3A_36 : vector<256x128xi32>
    %get3A_38 = arith.constant 2 : index
    %get3A_39 = memref.load %arg0[%get3A_38] : memref<64xf32, #tpu.memory_space<smem>>
    %broadcast_in_dim3A_40 = vector.broadcast %get3A_39 : f32 to vector<256x128xf32>
    %select_n3A_41 = arith.select %eq3A_37, %broadcast_in_dim3A_40, %select_n3A_34 : vector<256x128xi1>, vector<256x128xf32>
    %eq3A_42 = arith.constant 3 : i32
    %eq3A_43 = vector.broadcast %eq3A_42 : i32 to vector<256x128xi32>
    %eq3A_44 = arith.cmpi eq, %min3A_21, %eq3A_43 : vector<256x128xi32>
    %get3A_45 = arith.constant 3 : index
    %get3A_46 = memref.load %arg0[%get3A_45] : memref<64xf32, #tpu.memory_space<smem>>
    %broadcast_in_dim3A_47 = vector.broadcast %get3A_46 : f32 to vector<256x128xf32>
    %select_n3A_48 = arith.select %eq3A_44, %broadcast_in_dim3A_47, %select_n3A_41 : vector<256x128xi1>, vector<256x128xf32>
    %eq3A_49 = arith.constant 4 : i32
    %eq3A_50 = vector.broadcast %eq3A_49 : i32 to vector<256x128xi32>
    %eq3A_51 = arith.cmpi eq, %min3A_21, %eq3A_50 : vector<256x128xi32>
    %get3A_52 = arith.constant 4 : index
    %get3A_53 = memref.load %arg0[%get3A_52] : memref<64xf32, #tpu.memory_space<smem>>
    %broadcast_in_dim3A_54 = vector.broadcast %get3A_53 : f32 to vector<256x128xf32>
    %select_n3A_55 = arith.select %eq3A_51, %broadcast_in_dim3A_54, %select_n3A_48 : vector<256x128xi1>, vector<256x128xf32>
    %eq3A_56 = arith.constant 5 : i32
    %eq3A_57 = vector.broadcast %eq3A_56 : i32 to vector<256x128xi32>
    %eq3A_58 = arith.cmpi eq, %min3A_21, %eq3A_57 : vector<256x128xi32>
    %get3A_59 = arith.constant 5 : index
    %get3A_60 = memref.load %arg0[%get3A_59] : memref<64xf32, #tpu.memory_space<smem>>
    %broadcast_in_dim3A_61 = vector.broadcast %get3A_60 : f32 to vector<256x128xf32>
    %select_n3A_62 = arith.select %eq3A_58, %broadcast_in_dim3A_61, %select_n3A_55 : vector<256x128xi1>, vector<256x128xf32>
    %eq3A_63 = arith.constant 6 : i32
    %eq3A_64 = vector.broadcast %eq3A_63 : i32 to vector<256x128xi32>
    %eq3A_65 = arith.cmpi eq, %min3A_21, %eq3A_64 : vector<256x128xi32>
    %get3A_66 = arith.constant 6 : index
    %get3A_67 = memref.load %arg0[%get3A_66] : memref<64xf32, #tpu.memory_space<smem>>
    %broadcast_in_dim3A_68 = vector.broadcast %get3A_67 : f32 to vector<256x128xf32>
    %select_n3A_69 = arith.select %eq3A_65, %broadcast_in_dim3A_68, %select_n3A_62 : vector<256x128xi1>, vector<256x128xf32>
    %eq3A_70 = arith.constant 7 : i32
    %eq3A_71 = vector.broadcast %eq3A_70 : i32 to vector<256x128xi32>
    %eq3A_72 = arith.cmpi eq, %min3A_21, %eq3A_71 : vector<256x128xi32>
    %get3A_73 = arith.constant 7 : index
    %get3A_74 = memref.load %arg0[%get3A_73] : memref<64xf32, #tpu.memory_space<smem>>
    %broadcast_in_dim3A_75 = vector.broadcast %get3A_74 : f32 to vector<256x128xf32>
    %select_n3A_76 = arith.select %eq3A_72, %broadcast_in_dim3A_75, %select_n3A_69 : vector<256x128xi1>, vector<256x128xf32>
    %eq3A_77 = arith.constant 8 : i32
    %eq3A_78 = vector.broadcast %eq3A_77 : i32 to vector<256x128xi32>
    %eq3A_79 = arith.cmpi eq, %min3A_21, %eq3A_78 : vector<256x128xi32>
    %get3A_80 = arith.constant 8 : index
    %get3A_81 = memref.load %arg0[%get3A_80] : memref<64xf32, #tpu.memory_space<smem>>
    %broadcast_in_dim3A_82 = vector.broadcast %get3A_81 : f32 to vector<256x128xf32>
    %select_n3A_83 = arith.select %eq3A_79, %broadcast_in_dim3A_82, %select_n3A_76 : vector<256x128xi1>, vector<256x128xf32>
    %eq3A_84 = arith.constant 9 : i32
    %eq3A_85 = vector.broadcast %eq3A_84 : i32 to vector<256x128xi32>
    %eq3A_86 = arith.cmpi eq, %min3A_21, %eq3A_85 : vector<256x128xi32>
    %get3A_87 = arith.constant 9 : index
    %get3A_88 = memref.load %arg0[%get3A_87] : memref<64xf32, #tpu.memory_space<smem>>
    %broadcast_in_dim3A_89 = vector.broadcast %get3A_88 : f32 to vector<256x128xf32>
    %select_n3A_90 = arith.select %eq3A_86, %broadcast_in_dim3A_89, %select_n3A_83 : vector<256x128xi1>, vector<256x128xf32>
    %eq3A_91 = arith.constant 10 : i32
    %eq3A_92 = vector.broadcast %eq3A_91 : i32 to vector<256x128xi32>
    %eq3A_93 = arith.cmpi eq, %min3A_21, %eq3A_92 : vector<256x128xi32>
    %get3A_94 = arith.constant 10 : index
    %get3A_95 = memref.load %arg0[%get3A_94] : memref<64xf32, #tpu.memory_space<smem>>
    %broadcast_in_dim3A_96 = vector.broadcast %get3A_95 : f32 to vector<256x128xf32>
    %select_n3A_97 = arith.select %eq3A_93, %broadcast_in_dim3A_96, %select_n3A_90 : vector<256x128xi1>, vector<256x128xf32>
    %eq3A_98 = arith.constant 11 : i32
    %eq3A_99 = vector.broadcast %eq3A_98 : i32 to vector<256x128xi32>
    %eq3A_100 = arith.cmpi eq, %min3A_21, %eq3A_99 : vector<256x128xi32>
    %get3A_101 = arith.constant 11 : index
    %get3A_102 = memref.load %arg0[%get3A_101] : memref<64xf32, #tpu.memory_space<smem>>
    %broadcast_in_dim3A_103 = vector.broadcast %get3A_102 : f32 to vector<256x128xf32>
    %select_n3A_104 = arith.select %eq3A_100, %broadcast_in_dim3A_103, %select_n3A_97 : vector<256x128xi1>, vector<256x128xf32>
    %eq3A_105 = arith.constant 12 : i32
    %eq3A_106 = vector.broadcast %eq3A_105 : i32 to vector<256x128xi32>
    %eq3A_107 = arith.cmpi eq, %min3A_21, %eq3A_106 : vector<256x128xi32>
    %get3A_108 = arith.constant 12 : index
    %get3A_109 = memref.load %arg0[%get3A_108] : memref<64xf32, #tpu.memory_space<smem>>
    %broadcast_in_dim3A_110 = vector.broadcast %get3A_109 : f32 to vector<256x128xf32>
    %select_n3A_111 = arith.select %eq3A_107, %broadcast_in_dim3A_110, %select_n3A_104 : vector<256x128xi1>, vector<256x128xf32>
    %eq3A_112 = arith.constant 13 : i32
    %eq3A_113 = vector.broadcast %eq3A_112 : i32 to vector<256x128xi32>
    %eq3A_114 = arith.cmpi eq, %min3A_21, %eq3A_113 : vector<256x128xi32>
    %get3A_115 = arith.constant 13 : index
    %get3A_116 = memref.load %arg0[%get3A_115] : memref<64xf32, #tpu.memory_space<smem>>
    %broadcast_in_dim3A_117 = vector.broadcast %get3A_116 : f32 to vector<256x128xf32>
    %select_n3A_118 = arith.select %eq3A_114, %broadcast_in_dim3A_117, %select_n3A_111 : vector<256x128xi1>, vector<256x128xf32>
    %eq3A_119 = arith.constant 14 : i32
    %eq3A_120 = vector.broadcast %eq3A_119 : i32 to vector<256x128xi32>
    %eq3A_121 = arith.cmpi eq, %min3A_21, %eq3A_120 : vector<256x128xi32>
    %get3A_122 = arith.constant 14 : index
    %get3A_123 = memref.load %arg0[%get3A_122] : memref<64xf32, #tpu.memory_space<smem>>
    %broadcast_in_dim3A_124 = vector.broadcast %get3A_123 : f32 to vector<256x128xf32>
    %select_n3A_125 = arith.select %eq3A_121, %broadcast_in_dim3A_124, %select_n3A_118 : vector<256x128xi1>, vector<256x128xf32>
    %eq3A_126 = arith.constant 15 : i32
    %eq3A_127 = vector.broadcast %eq3A_126 : i32 to vector<256x128xi32>
    %eq3A_128 = arith.cmpi eq, %min3A_21, %eq3A_127 : vector<256x128xi32>
    %get3A_129 = arith.constant 15 : index
    %get3A_130 = memref.load %arg0[%get3A_129] : memref<64xf32, #tpu.memory_space<smem>>
    %broadcast_in_dim3A_131 = vector.broadcast %get3A_130 : f32 to vector<256x128xf32>
    %select_n3A_132 = arith.select %eq3A_128, %broadcast_in_dim3A_131, %select_n3A_125 : vector<256x128xi1>, vector<256x128xf32>
    %eq3A_133 = arith.constant 16 : i32
    %eq3A_134 = vector.broadcast %eq3A_133 : i32 to vector<256x128xi32>
    %eq3A_135 = arith.cmpi eq, %min3A_21, %eq3A_134 : vector<256x128xi32>
    %get3A_136 = arith.constant 16 : index
    %get3A_137 = memref.load %arg0[%get3A_136] : memref<64xf32, #tpu.memory_space<smem>>
    %broadcast_in_dim3A_138 = vector.broadcast %get3A_137 : f32 to vector<256x128xf32>
    %select_n3A_139 = arith.select %eq3A_135, %broadcast_in_dim3A_138, %select_n3A_132 : vector<256x128xi1>, vector<256x128xf32>
    %eq3A_140 = arith.constant 17 : i32
    %eq3A_141 = vector.broadcast %eq3A_140 : i32 to vector<256x128xi32>
    %eq3A_142 = arith.cmpi eq, %min3A_21, %eq3A_141 : vector<256x128xi32>
    %get3A_143 = arith.constant 17 : index
    %get3A_144 = memref.load %arg0[%get3A_143] : memref<64xf32, #tpu.memory_space<smem>>
    %broadcast_in_dim3A_145 = vector.broadcast %get3A_144 : f32 to vector<256x128xf32>
    %select_n3A_146 = arith.select %eq3A_142, %broadcast_in_dim3A_145, %select_n3A_139 : vector<256x128xi1>, vector<256x128xf32>
    %eq3A_147 = arith.constant 18 : i32
    %eq3A_148 = vector.broadcast %eq3A_147 : i32 to vector<256x128xi32>
    %eq3A_149 = arith.cmpi eq, %min3A_21, %eq3A_148 : vector<256x128xi32>
    %get3A_150 = arith.constant 18 : index
    %get3A_151 = memref.load %arg0[%get3A_150] : memref<64xf32, #tpu.memory_space<smem>>
    %broadcast_in_dim3A_152 = vector.broadcast %get3A_151 : f32 to vector<256x128xf32>
    %select_n3A_153 = arith.select %eq3A_149, %broadcast_in_dim3A_152, %select_n3A_146 : vector<256x128xi1>, vector<256x128xf32>
    %eq3A_154 = arith.constant 19 : i32
    %eq3A_155 = vector.broadcast %eq3A_154 : i32 to vector<256x128xi32>
    %eq3A_156 = arith.cmpi eq, %min3A_21, %eq3A_155 : vector<256x128xi32>
    %get3A_157 = arith.constant 19 : index
    %get3A_158 = memref.load %arg0[%get3A_157] : memref<64xf32, #tpu.memory_space<smem>>
    %broadcast_in_dim3A_159 = vector.broadcast %get3A_158 : f32 to vector<256x128xf32>
    %select_n3A_160 = arith.select %eq3A_156, %broadcast_in_dim3A_159, %select_n3A_153 : vector<256x128xi1>, vector<256x128xf32>
    %eq3A_161 = arith.constant 20 : i32
    %eq3A_162 = vector.broadcast %eq3A_161 : i32 to vector<256x128xi32>
    %eq3A_163 = arith.cmpi eq, %min3A_21, %eq3A_162 : vector<256x128xi32>
    %get3A_164 = arith.constant 20 : index
    %get3A_165 = memref.load %arg0[%get3A_164] : memref<64xf32, #tpu.memory_space<smem>>
    %broadcast_in_dim3A_166 = vector.broadcast %get3A_165 : f32 to vector<256x128xf32>
    %select_n3A_167 = arith.select %eq3A_163, %broadcast_in_dim3A_166, %select_n3A_160 : vector<256x128xi1>, vector<256x128xf32>
    %eq3A_168 = arith.constant 21 : i32
    %eq3A_169 = vector.broadcast %eq3A_168 : i32 to vector<256x128xi32>
    %eq3A_170 = arith.cmpi eq, %min3A_21, %eq3A_169 : vector<256x128xi32>
    %get3A_171 = arith.constant 21 : index
    %get3A_172 = memref.load %arg0[%get3A_171] : memref<64xf32, #tpu.memory_space<smem>>
    %broadcast_in_dim3A_173 = vector.broadcast %get3A_172 : f32 to vector<256x128xf32>
    %select_n3A_174 = arith.select %eq3A_170, %broadcast_in_dim3A_173, %select_n3A_167 : vector<256x128xi1>, vector<256x128xf32>
    %eq3A_175 = arith.constant 22 : i32
    %eq3A_176 = vector.broadcast %eq3A_175 : i32 to vector<256x128xi32>
    %eq3A_177 = arith.cmpi eq, %min3A_21, %eq3A_176 : vector<256x128xi32>
    %get3A_178 = arith.constant 22 : index
    %get3A_179 = memref.load %arg0[%get3A_178] : memref<64xf32, #tpu.memory_space<smem>>
    %broadcast_in_dim3A_180 = vector.broadcast %get3A_179 : f32 to vector<256x128xf32>
    %select_n3A_181 = arith.select %eq3A_177, %broadcast_in_dim3A_180, %select_n3A_174 : vector<256x128xi1>, vector<256x128xf32>
    %eq3A_182 = arith.constant 23 : i32
    %eq3A_183 = vector.broadcast %eq3A_182 : i32 to vector<256x128xi32>
    %eq3A_184 = arith.cmpi eq, %min3A_21, %eq3A_183 : vector<256x128xi32>
    %get3A_185 = arith.constant 23 : index
    %get3A_186 = memref.load %arg0[%get3A_185] : memref<64xf32, #tpu.memory_space<smem>>
    %broadcast_in_dim3A_187 = vector.broadcast %get3A_186 : f32 to vector<256x128xf32>
    %select_n3A_188 = arith.select %eq3A_184, %broadcast_in_dim3A_187, %select_n3A_181 : vector<256x128xi1>, vector<256x128xf32>
    %eq3A_189 = arith.constant 24 : i32
    %eq3A_190 = vector.broadcast %eq3A_189 : i32 to vector<256x128xi32>
    %eq3A_191 = arith.cmpi eq, %min3A_21, %eq3A_190 : vector<256x128xi32>
    %get3A_192 = arith.constant 24 : index
    %get3A_193 = memref.load %arg0[%get3A_192] : memref<64xf32, #tpu.memory_space<smem>>
    %broadcast_in_dim3A_194 = vector.broadcast %get3A_193 : f32 to vector<256x128xf32>
    %select_n3A_195 = arith.select %eq3A_191, %broadcast_in_dim3A_194, %select_n3A_188 : vector<256x128xi1>, vector<256x128xf32>
    %eq3A_196 = arith.constant 25 : i32
    %eq3A_197 = vector.broadcast %eq3A_196 : i32 to vector<256x128xi32>
    %eq3A_198 = arith.cmpi eq, %min3A_21, %eq3A_197 : vector<256x128xi32>
    %get3A_199 = arith.constant 25 : index
    %get3A_200 = memref.load %arg0[%get3A_199] : memref<64xf32, #tpu.memory_space<smem>>
    %broadcast_in_dim3A_201 = vector.broadcast %get3A_200 : f32 to vector<256x128xf32>
    %select_n3A_202 = arith.select %eq3A_198, %broadcast_in_dim3A_201, %select_n3A_195 : vector<256x128xi1>, vector<256x128xf32>
    %eq3A_203 = arith.constant 26 : i32
    %eq3A_204 = vector.broadcast %eq3A_203 : i32 to vector<256x128xi32>
    %eq3A_205 = arith.cmpi eq, %min3A_21, %eq3A_204 : vector<256x128xi32>
    %get3A_206 = arith.constant 26 : index
    %get3A_207 = memref.load %arg0[%get3A_206] : memref<64xf32, #tpu.memory_space<smem>>
    %broadcast_in_dim3A_208 = vector.broadcast %get3A_207 : f32 to vector<256x128xf32>
    %select_n3A_209 = arith.select %eq3A_205, %broadcast_in_dim3A_208, %select_n3A_202 : vector<256x128xi1>, vector<256x128xf32>
    %eq3A_210 = arith.constant 27 : i32
    %eq3A_211 = vector.broadcast %eq3A_210 : i32 to vector<256x128xi32>
    %eq3A_212 = arith.cmpi eq, %min3A_21, %eq3A_211 : vector<256x128xi32>
    %get3A_213 = arith.constant 27 : index
    %get3A_214 = memref.load %arg0[%get3A_213] : memref<64xf32, #tpu.memory_space<smem>>
    %broadcast_in_dim3A_215 = vector.broadcast %get3A_214 : f32 to vector<256x128xf32>
    %select_n3A_216 = arith.select %eq3A_212, %broadcast_in_dim3A_215, %select_n3A_209 : vector<256x128xi1>, vector<256x128xf32>
    %eq3A_217 = arith.constant 28 : i32
    %eq3A_218 = vector.broadcast %eq3A_217 : i32 to vector<256x128xi32>
    %eq3A_219 = arith.cmpi eq, %min3A_21, %eq3A_218 : vector<256x128xi32>
    %get3A_220 = arith.constant 28 : index
    %get3A_221 = memref.load %arg0[%get3A_220] : memref<64xf32, #tpu.memory_space<smem>>
    %broadcast_in_dim3A_222 = vector.broadcast %get3A_221 : f32 to vector<256x128xf32>
    %select_n3A_223 = arith.select %eq3A_219, %broadcast_in_dim3A_222, %select_n3A_216 : vector<256x128xi1>, vector<256x128xf32>
    %eq3A_224 = arith.constant 29 : i32
    %eq3A_225 = vector.broadcast %eq3A_224 : i32 to vector<256x128xi32>
    %eq3A_226 = arith.cmpi eq, %min3A_21, %eq3A_225 : vector<256x128xi32>
    %get3A_227 = arith.constant 29 : index
    %get3A_228 = memref.load %arg0[%get3A_227] : memref<64xf32, #tpu.memory_space<smem>>
    %broadcast_in_dim3A_229 = vector.broadcast %get3A_228 : f32 to vector<256x128xf32>
    %select_n3A_230 = arith.select %eq3A_226, %broadcast_in_dim3A_229, %select_n3A_223 : vector<256x128xi1>, vector<256x128xf32>
    %eq3A_231 = arith.constant 30 : i32
    %eq3A_232 = vector.broadcast %eq3A_231 : i32 to vector<256x128xi32>
    %eq3A_233 = arith.cmpi eq, %min3A_21, %eq3A_232 : vector<256x128xi32>
    %get3A_234 = arith.constant 30 : index
    %get3A_235 = memref.load %arg0[%get3A_234] : memref<64xf32, #tpu.memory_space<smem>>
    %broadcast_in_dim3A_236 = vector.broadcast %get3A_235 : f32 to vector<256x128xf32>
    %select_n3A_237 = arith.select %eq3A_233, %broadcast_in_dim3A_236, %select_n3A_230 : vector<256x128xi1>, vector<256x128xf32>
    %eq3A_238 = arith.constant 31 : i32
    %eq3A_239 = vector.broadcast %eq3A_238 : i32 to vector<256x128xi32>
    %eq3A_240 = arith.cmpi eq, %min3A_21, %eq3A_239 : vector<256x128xi32>
    %get3A_241 = arith.constant 31 : index
    %get3A_242 = memref.load %arg0[%get3A_241] : memref<64xf32, #tpu.memory_space<smem>>
    %broadcast_in_dim3A_243 = vector.broadcast %get3A_242 : f32 to vector<256x128xf32>
    %select_n3A_244 = arith.select %eq3A_240, %broadcast_in_dim3A_243, %select_n3A_237 : vector<256x128xi1>, vector<256x128xf32>
    %eq3A_245 = arith.constant 32 : i32
    %eq3A_246 = vector.broadcast %eq3A_245 : i32 to vector<256x128xi32>
    %eq3A_247 = arith.cmpi eq, %min3A_21, %eq3A_246 : vector<256x128xi32>
    %get3A_248 = arith.constant 32 : index
    %get3A_249 = memref.load %arg0[%get3A_248] : memref<64xf32, #tpu.memory_space<smem>>
    %broadcast_in_dim3A_250 = vector.broadcast %get3A_249 : f32 to vector<256x128xf32>
    %select_n3A_251 = arith.select %eq3A_247, %broadcast_in_dim3A_250, %select_n3A_244 : vector<256x128xi1>, vector<256x128xf32>
    %eq3A_252 = arith.constant 33 : i32
    %eq3A_253 = vector.broadcast %eq3A_252 : i32 to vector<256x128xi32>
    %eq3A_254 = arith.cmpi eq, %min3A_21, %eq3A_253 : vector<256x128xi32>
    %get3A_255 = arith.constant 33 : index
    %get3A_256 = memref.load %arg0[%get3A_255] : memref<64xf32, #tpu.memory_space<smem>>
    %broadcast_in_dim3A_257 = vector.broadcast %get3A_256 : f32 to vector<256x128xf32>
    %select_n3A_258 = arith.select %eq3A_254, %broadcast_in_dim3A_257, %select_n3A_251 : vector<256x128xi1>, vector<256x128xf32>
    %eq3A_259 = arith.constant 34 : i32
    %eq3A_260 = vector.broadcast %eq3A_259 : i32 to vector<256x128xi32>
    %eq3A_261 = arith.cmpi eq, %min3A_21, %eq3A_260 : vector<256x128xi32>
    %get3A_262 = arith.constant 34 : index
    %get3A_263 = memref.load %arg0[%get3A_262] : memref<64xf32, #tpu.memory_space<smem>>
    %broadcast_in_dim3A_264 = vector.broadcast %get3A_263 : f32 to vector<256x128xf32>
    %select_n3A_265 = arith.select %eq3A_261, %broadcast_in_dim3A_264, %select_n3A_258 : vector<256x128xi1>, vector<256x128xf32>
    %eq3A_266 = arith.constant 35 : i32
    %eq3A_267 = vector.broadcast %eq3A_266 : i32 to vector<256x128xi32>
    %eq3A_268 = arith.cmpi eq, %min3A_21, %eq3A_267 : vector<256x128xi32>
    %get3A_269 = arith.constant 35 : index
    %get3A_270 = memref.load %arg0[%get3A_269] : memref<64xf32, #tpu.memory_space<smem>>
    %broadcast_in_dim3A_271 = vector.broadcast %get3A_270 : f32 to vector<256x128xf32>
    %select_n3A_272 = arith.select %eq3A_268, %broadcast_in_dim3A_271, %select_n3A_265 : vector<256x128xi1>, vector<256x128xf32>
    %eq3A_273 = arith.constant 36 : i32
    %eq3A_274 = vector.broadcast %eq3A_273 : i32 to vector<256x128xi32>
    %eq3A_275 = arith.cmpi eq, %min3A_21, %eq3A_274 : vector<256x128xi32>
    %get3A_276 = arith.constant 36 : index
    %get3A_277 = memref.load %arg0[%get3A_276] : memref<64xf32, #tpu.memory_space<smem>>
    %broadcast_in_dim3A_278 = vector.broadcast %get3A_277 : f32 to vector<256x128xf32>
    %select_n3A_279 = arith.select %eq3A_275, %broadcast_in_dim3A_278, %select_n3A_272 : vector<256x128xi1>, vector<256x128xf32>
    %eq3A_280 = arith.constant 37 : i32
    %eq3A_281 = vector.broadcast %eq3A_280 : i32 to vector<256x128xi32>
    %eq3A_282 = arith.cmpi eq, %min3A_21, %eq3A_281 : vector<256x128xi32>
    %get3A_283 = arith.constant 37 : index
    %get3A_284 = memref.load %arg0[%get3A_283] : memref<64xf32, #tpu.memory_space<smem>>
    %broadcast_in_dim3A_285 = vector.broadcast %get3A_284 : f32 to vector<256x128xf32>
    %select_n3A_286 = arith.select %eq3A_282, %broadcast_in_dim3A_285, %select_n3A_279 : vector<256x128xi1>, vector<256x128xf32>
    %eq3A_287 = arith.constant 38 : i32
    %eq3A_288 = vector.broadcast %eq3A_287 : i32 to vector<256x128xi32>
    %eq3A_289 = arith.cmpi eq, %min3A_21, %eq3A_288 : vector<256x128xi32>
    %get3A_290 = arith.constant 38 : index
    %get3A_291 = memref.load %arg0[%get3A_290] : memref<64xf32, #tpu.memory_space<smem>>
    %broadcast_in_dim3A_292 = vector.broadcast %get3A_291 : f32 to vector<256x128xf32>
    %select_n3A_293 = arith.select %eq3A_289, %broadcast_in_dim3A_292, %select_n3A_286 : vector<256x128xi1>, vector<256x128xf32>
    %eq3A_294 = arith.constant 39 : i32
    %eq3A_295 = vector.broadcast %eq3A_294 : i32 to vector<256x128xi32>
    %eq3A_296 = arith.cmpi eq, %min3A_21, %eq3A_295 : vector<256x128xi32>
    %get3A_297 = arith.constant 39 : index
    %get3A_298 = memref.load %arg0[%get3A_297] : memref<64xf32, #tpu.memory_space<smem>>
    %broadcast_in_dim3A_299 = vector.broadcast %get3A_298 : f32 to vector<256x128xf32>
    %select_n3A_300 = arith.select %eq3A_296, %broadcast_in_dim3A_299, %select_n3A_293 : vector<256x128xi1>, vector<256x128xf32>
    %eq3A_301 = arith.constant 40 : i32
    %eq3A_302 = vector.broadcast %eq3A_301 : i32 to vector<256x128xi32>
    %eq3A_303 = arith.cmpi eq, %min3A_21, %eq3A_302 : vector<256x128xi32>
    %get3A_304 = arith.constant 40 : index
    %get3A_305 = memref.load %arg0[%get3A_304] : memref<64xf32, #tpu.memory_space<smem>>
    %broadcast_in_dim3A_306 = vector.broadcast %get3A_305 : f32 to vector<256x128xf32>
    %select_n3A_307 = arith.select %eq3A_303, %broadcast_in_dim3A_306, %select_n3A_300 : vector<256x128xi1>, vector<256x128xf32>
    %eq3A_308 = arith.constant 41 : i32
    %eq3A_309 = vector.broadcast %eq3A_308 : i32 to vector<256x128xi32>
    %eq3A_310 = arith.cmpi eq, %min3A_21, %eq3A_309 : vector<256x128xi32>
    %get3A_311 = arith.constant 41 : index
    %get3A_312 = memref.load %arg0[%get3A_311] : memref<64xf32, #tpu.memory_space<smem>>
    %broadcast_in_dim3A_313 = vector.broadcast %get3A_312 : f32 to vector<256x128xf32>
    %select_n3A_314 = arith.select %eq3A_310, %broadcast_in_dim3A_313, %select_n3A_307 : vector<256x128xi1>, vector<256x128xf32>
    %eq3A_315 = arith.constant 42 : i32
    %eq3A_316 = vector.broadcast %eq3A_315 : i32 to vector<256x128xi32>
    %eq3A_317 = arith.cmpi eq, %min3A_21, %eq3A_316 : vector<256x128xi32>
    %get3A_318 = arith.constant 42 : index
    %get3A_319 = memref.load %arg0[%get3A_318] : memref<64xf32, #tpu.memory_space<smem>>
    %broadcast_in_dim3A_320 = vector.broadcast %get3A_319 : f32 to vector<256x128xf32>
    %select_n3A_321 = arith.select %eq3A_317, %broadcast_in_dim3A_320, %select_n3A_314 : vector<256x128xi1>, vector<256x128xf32>
    %eq3A_322 = arith.constant 43 : i32
    %eq3A_323 = vector.broadcast %eq3A_322 : i32 to vector<256x128xi32>
    %eq3A_324 = arith.cmpi eq, %min3A_21, %eq3A_323 : vector<256x128xi32>
    %get3A_325 = arith.constant 43 : index
    %get3A_326 = memref.load %arg0[%get3A_325] : memref<64xf32, #tpu.memory_space<smem>>
    %broadcast_in_dim3A_327 = vector.broadcast %get3A_326 : f32 to vector<256x128xf32>
    %select_n3A_328 = arith.select %eq3A_324, %broadcast_in_dim3A_327, %select_n3A_321 : vector<256x128xi1>, vector<256x128xf32>
    %eq3A_329 = arith.constant 44 : i32
    %eq3A_330 = vector.broadcast %eq3A_329 : i32 to vector<256x128xi32>
    %eq3A_331 = arith.cmpi eq, %min3A_21, %eq3A_330 : vector<256x128xi32>
    %get3A_332 = arith.constant 44 : index
    %get3A_333 = memref.load %arg0[%get3A_332] : memref<64xf32, #tpu.memory_space<smem>>
    %broadcast_in_dim3A_334 = vector.broadcast %get3A_333 : f32 to vector<256x128xf32>
    %select_n3A_335 = arith.select %eq3A_331, %broadcast_in_dim3A_334, %select_n3A_328 : vector<256x128xi1>, vector<256x128xf32>
    %eq3A_336 = arith.constant 45 : i32
    %eq3A_337 = vector.broadcast %eq3A_336 : i32 to vector<256x128xi32>
    %eq3A_338 = arith.cmpi eq, %min3A_21, %eq3A_337 : vector<256x128xi32>
    %get3A_339 = arith.constant 45 : index
    %get3A_340 = memref.load %arg0[%get3A_339] : memref<64xf32, #tpu.memory_space<smem>>
    %broadcast_in_dim3A_341 = vector.broadcast %get3A_340 : f32 to vector<256x128xf32>
    %select_n3A_342 = arith.select %eq3A_338, %broadcast_in_dim3A_341, %select_n3A_335 : vector<256x128xi1>, vector<256x128xf32>
    %eq3A_343 = arith.constant 46 : i32
    %eq3A_344 = vector.broadcast %eq3A_343 : i32 to vector<256x128xi32>
    %eq3A_345 = arith.cmpi eq, %min3A_21, %eq3A_344 : vector<256x128xi32>
    %get3A_346 = arith.constant 46 : index
    %get3A_347 = memref.load %arg0[%get3A_346] : memref<64xf32, #tpu.memory_space<smem>>
    %broadcast_in_dim3A_348 = vector.broadcast %get3A_347 : f32 to vector<256x128xf32>
    %select_n3A_349 = arith.select %eq3A_345, %broadcast_in_dim3A_348, %select_n3A_342 : vector<256x128xi1>, vector<256x128xf32>
    %eq3A_350 = arith.constant 47 : i32
    %eq3A_351 = vector.broadcast %eq3A_350 : i32 to vector<256x128xi32>
    %eq3A_352 = arith.cmpi eq, %min3A_21, %eq3A_351 : vector<256x128xi32>
    %get3A_353 = arith.constant 47 : index
    %get3A_354 = memref.load %arg0[%get3A_353] : memref<64xf32, #tpu.memory_space<smem>>
    %broadcast_in_dim3A_355 = vector.broadcast %get3A_354 : f32 to vector<256x128xf32>
    %select_n3A_356 = arith.select %eq3A_352, %broadcast_in_dim3A_355, %select_n3A_349 : vector<256x128xi1>, vector<256x128xf32>
    %eq3A_357 = arith.constant 48 : i32
    %eq3A_358 = vector.broadcast %eq3A_357 : i32 to vector<256x128xi32>
    %eq3A_359 = arith.cmpi eq, %min3A_21, %eq3A_358 : vector<256x128xi32>
    %get3A_360 = arith.constant 48 : index
    %get3A_361 = memref.load %arg0[%get3A_360] : memref<64xf32, #tpu.memory_space<smem>>
    %broadcast_in_dim3A_362 = vector.broadcast %get3A_361 : f32 to vector<256x128xf32>
    %select_n3A_363 = arith.select %eq3A_359, %broadcast_in_dim3A_362, %select_n3A_356 : vector<256x128xi1>, vector<256x128xf32>
    %eq3A_364 = arith.constant 49 : i32
    %eq3A_365 = vector.broadcast %eq3A_364 : i32 to vector<256x128xi32>
    %eq3A_366 = arith.cmpi eq, %min3A_21, %eq3A_365 : vector<256x128xi32>
    %get3A_367 = arith.constant 49 : index
    %get3A_368 = memref.load %arg0[%get3A_367] : memref<64xf32, #tpu.memory_space<smem>>
    %broadcast_in_dim3A_369 = vector.broadcast %get3A_368 : f32 to vector<256x128xf32>
    %select_n3A_370 = arith.select %eq3A_366, %broadcast_in_dim3A_369, %select_n3A_363 : vector<256x128xi1>, vector<256x128xf32>
    %eq3A_371 = arith.constant 50 : i32
    %eq3A_372 = vector.broadcast %eq3A_371 : i32 to vector<256x128xi32>
    %eq3A_373 = arith.cmpi eq, %min3A_21, %eq3A_372 : vector<256x128xi32>
    %get3A_374 = arith.constant 50 : index
    %get3A_375 = memref.load %arg0[%get3A_374] : memref<64xf32, #tpu.memory_space<smem>>
    %broadcast_in_dim3A_376 = vector.broadcast %get3A_375 : f32 to vector<256x128xf32>
    %select_n3A_377 = arith.select %eq3A_373, %broadcast_in_dim3A_376, %select_n3A_370 : vector<256x128xi1>, vector<256x128xf32>
    %eq3A_378 = arith.constant 51 : i32
    %eq3A_379 = vector.broadcast %eq3A_378 : i32 to vector<256x128xi32>
    %eq3A_380 = arith.cmpi eq, %min3A_21, %eq3A_379 : vector<256x128xi32>
    %get3A_381 = arith.constant 51 : index
    %get3A_382 = memref.load %arg0[%get3A_381] : memref<64xf32, #tpu.memory_space<smem>>
    %broadcast_in_dim3A_383 = vector.broadcast %get3A_382 : f32 to vector<256x128xf32>
    %select_n3A_384 = arith.select %eq3A_380, %broadcast_in_dim3A_383, %select_n3A_377 : vector<256x128xi1>, vector<256x128xf32>
    %eq3A_385 = arith.constant 52 : i32
    %eq3A_386 = vector.broadcast %eq3A_385 : i32 to vector<256x128xi32>
    %eq3A_387 = arith.cmpi eq, %min3A_21, %eq3A_386 : vector<256x128xi32>
    %get3A_388 = arith.constant 52 : index
    %get3A_389 = memref.load %arg0[%get3A_388] : memref<64xf32, #tpu.memory_space<smem>>
    %broadcast_in_dim3A_390 = vector.broadcast %get3A_389 : f32 to vector<256x128xf32>
    %select_n3A_391 = arith.select %eq3A_387, %broadcast_in_dim3A_390, %select_n3A_384 : vector<256x128xi1>, vector<256x128xf32>
    %eq3A_392 = arith.constant 53 : i32
    %eq3A_393 = vector.broadcast %eq3A_392 : i32 to vector<256x128xi32>
    %eq3A_394 = arith.cmpi eq, %min3A_21, %eq3A_393 : vector<256x128xi32>
    %get3A_395 = arith.constant 53 : index
    %get3A_396 = memref.load %arg0[%get3A_395] : memref<64xf32, #tpu.memory_space<smem>>
    %broadcast_in_dim3A_397 = vector.broadcast %get3A_396 : f32 to vector<256x128xf32>
    %select_n3A_398 = arith.select %eq3A_394, %broadcast_in_dim3A_397, %select_n3A_391 : vector<256x128xi1>, vector<256x128xf32>
    %eq3A_399 = arith.constant 54 : i32
    %eq3A_400 = vector.broadcast %eq3A_399 : i32 to vector<256x128xi32>
    %eq3A_401 = arith.cmpi eq, %min3A_21, %eq3A_400 : vector<256x128xi32>
    %get3A_402 = arith.constant 54 : index
    %get3A_403 = memref.load %arg0[%get3A_402] : memref<64xf32, #tpu.memory_space<smem>>
    %broadcast_in_dim3A_404 = vector.broadcast %get3A_403 : f32 to vector<256x128xf32>
    %select_n3A_405 = arith.select %eq3A_401, %broadcast_in_dim3A_404, %select_n3A_398 : vector<256x128xi1>, vector<256x128xf32>
    %eq3A_406 = arith.constant 55 : i32
    %eq3A_407 = vector.broadcast %eq3A_406 : i32 to vector<256x128xi32>
    %eq3A_408 = arith.cmpi eq, %min3A_21, %eq3A_407 : vector<256x128xi32>
    %get3A_409 = arith.constant 55 : index
    %get3A_410 = memref.load %arg0[%get3A_409] : memref<64xf32, #tpu.memory_space<smem>>
    %broadcast_in_dim3A_411 = vector.broadcast %get3A_410 : f32 to vector<256x128xf32>
    %select_n3A_412 = arith.select %eq3A_408, %broadcast_in_dim3A_411, %select_n3A_405 : vector<256x128xi1>, vector<256x128xf32>
    %eq3A_413 = arith.constant 56 : i32
    %eq3A_414 = vector.broadcast %eq3A_413 : i32 to vector<256x128xi32>
    %eq3A_415 = arith.cmpi eq, %min3A_21, %eq3A_414 : vector<256x128xi32>
    %get3A_416 = arith.constant 56 : index
    %get3A_417 = memref.load %arg0[%get3A_416] : memref<64xf32, #tpu.memory_space<smem>>
    %broadcast_in_dim3A_418 = vector.broadcast %get3A_417 : f32 to vector<256x128xf32>
    %select_n3A_419 = arith.select %eq3A_415, %broadcast_in_dim3A_418, %select_n3A_412 : vector<256x128xi1>, vector<256x128xf32>
    %eq3A_420 = arith.constant 57 : i32
    %eq3A_421 = vector.broadcast %eq3A_420 : i32 to vector<256x128xi32>
    %eq3A_422 = arith.cmpi eq, %min3A_21, %eq3A_421 : vector<256x128xi32>
    %get3A_423 = arith.constant 57 : index
    %get3A_424 = memref.load %arg0[%get3A_423] : memref<64xf32, #tpu.memory_space<smem>>
    %broadcast_in_dim3A_425 = vector.broadcast %get3A_424 : f32 to vector<256x128xf32>
    %select_n3A_426 = arith.select %eq3A_422, %broadcast_in_dim3A_425, %select_n3A_419 : vector<256x128xi1>, vector<256x128xf32>
    %eq3A_427 = arith.constant 58 : i32
    %eq3A_428 = vector.broadcast %eq3A_427 : i32 to vector<256x128xi32>
    %eq3A_429 = arith.cmpi eq, %min3A_21, %eq3A_428 : vector<256x128xi32>
    %get3A_430 = arith.constant 58 : index
    %get3A_431 = memref.load %arg0[%get3A_430] : memref<64xf32, #tpu.memory_space<smem>>
    %broadcast_in_dim3A_432 = vector.broadcast %get3A_431 : f32 to vector<256x128xf32>
    %select_n3A_433 = arith.select %eq3A_429, %broadcast_in_dim3A_432, %select_n3A_426 : vector<256x128xi1>, vector<256x128xf32>
    %eq3A_434 = arith.constant 59 : i32
    %eq3A_435 = vector.broadcast %eq3A_434 : i32 to vector<256x128xi32>
    %eq3A_436 = arith.cmpi eq, %min3A_21, %eq3A_435 : vector<256x128xi32>
    %get3A_437 = arith.constant 59 : index
    %get3A_438 = memref.load %arg0[%get3A_437] : memref<64xf32, #tpu.memory_space<smem>>
    %broadcast_in_dim3A_439 = vector.broadcast %get3A_438 : f32 to vector<256x128xf32>
    %select_n3A_440 = arith.select %eq3A_436, %broadcast_in_dim3A_439, %select_n3A_433 : vector<256x128xi1>, vector<256x128xf32>
    %eq3A_441 = arith.constant 60 : i32
    %eq3A_442 = vector.broadcast %eq3A_441 : i32 to vector<256x128xi32>
    %eq3A_443 = arith.cmpi eq, %min3A_21, %eq3A_442 : vector<256x128xi32>
    %get3A_444 = arith.constant 60 : index
    %get3A_445 = memref.load %arg0[%get3A_444] : memref<64xf32, #tpu.memory_space<smem>>
    %broadcast_in_dim3A_446 = vector.broadcast %get3A_445 : f32 to vector<256x128xf32>
    %select_n3A_447 = arith.select %eq3A_443, %broadcast_in_dim3A_446, %select_n3A_440 : vector<256x128xi1>, vector<256x128xf32>
    %eq3A_448 = arith.constant 61 : i32
    %eq3A_449 = vector.broadcast %eq3A_448 : i32 to vector<256x128xi32>
    %eq3A_450 = arith.cmpi eq, %min3A_21, %eq3A_449 : vector<256x128xi32>
    %get3A_451 = arith.constant 61 : index
    %get3A_452 = memref.load %arg0[%get3A_451] : memref<64xf32, #tpu.memory_space<smem>>
    %broadcast_in_dim3A_453 = vector.broadcast %get3A_452 : f32 to vector<256x128xf32>
    %select_n3A_454 = arith.select %eq3A_450, %broadcast_in_dim3A_453, %select_n3A_447 : vector<256x128xi1>, vector<256x128xf32>
    %eq3A_455 = arith.constant 62 : i32
    %eq3A_456 = vector.broadcast %eq3A_455 : i32 to vector<256x128xi32>
    %eq3A_457 = arith.cmpi eq, %min3A_21, %eq3A_456 : vector<256x128xi32>
    %get3A_458 = arith.constant 62 : index
    %get3A_459 = memref.load %arg0[%get3A_458] : memref<64xf32, #tpu.memory_space<smem>>
    %broadcast_in_dim3A_460 = vector.broadcast %get3A_459 : f32 to vector<256x128xf32>
    %select_n3A_461 = arith.select %eq3A_457, %broadcast_in_dim3A_460, %select_n3A_454 : vector<256x128xi1>, vector<256x128xf32>
    %eq3A_462 = arith.constant 63 : i32
    %eq3A_463 = vector.broadcast %eq3A_462 : i32 to vector<256x128xi32>
    %eq3A_464 = arith.cmpi eq, %min3A_21, %eq3A_463 : vector<256x128xi32>
    %get3A_465 = arith.constant 63 : index
    %get3A_466 = memref.load %arg0[%get3A_465] : memref<64xf32, #tpu.memory_space<smem>>
    %broadcast_in_dim3A_467 = vector.broadcast %get3A_466 : f32 to vector<256x128xf32>
    %select_n3A_468 = arith.select %eq3A_464, %broadcast_in_dim3A_467, %select_n3A_461 : vector<256x128xi1>, vector<256x128xf32>
    %swap3A = arith.constant 0 : index
    %swap3A_469 = arith.constant 0 : index
    %swap3A_470 = vector.load %arg1[%swap3A, %swap3A_469] : memref<256x128xf32, #tpu.memory_space<vmem>>, vector<256x128xf32>
    tpu.vector_store %arg1[%swap3A, %swap3A_469], %select_n3A_468 {strides = array<i32>} : memref<256x128xf32, #tpu.memory_space<vmem>>, vector<256x128xf32>,
    return
  }
}

</mosaic_0001>

<sc_bundles>
// kernel: kernel.4.cloned.1.call-start
scs
__scs_entry_jumppad:
0x0: {  	(pc) =	sbr.rel $0x88, $3  }
0x1: {  	(tag) =	ssettag $0x0;
	lr =	simm.s32 $0x1  }
0x2: {  	[smem:$0x3F9F] =	sst lr;
	_ =	strace $0xD0000000  }
0x3: {  	_ = 	snop  }
0x4: {  	_ = 	snop  }
0x5: {  	_ = 	snop  }
0x6: {  	_ = 	snop  }
0x7: {  	_ = 	snop  }
__scs_overlays_trampoline_lowered:
0x8: {  	[smem:$0x3FAE] =	sst s0  }
0x9: {  	[smem:$0x3FAF] =	sst s1  }
0xa: {  	[smem:$0x3FB0] =	sst s2  }
0xb: {  	[smem:$0x3FB1] =	sst s3  }
0xc: {  	[smem:$0x3FB2] =	sst s4  }
0xd: {  	[smem:$0x3FB3] =	sst s5  }
0xe: {  	[smem:$0x3FB4] =	sst s6  }
0xf: {  	[smem:$0x3FB5] =	sst s7  }
0x10: {  	[smem:$0x3FB6] =	sst s8  }
0x11: {  	[smem:$0x3FB7] =	sst s9;
	s0 =	simm.s32 @!p0 $0x0  }
0x12: {  	s1 =	sld [smem:$0x3F9D];
	s0 =	simm.s32 @p0 $0x1  }
0x13: {  	[smem:$0x3FB8] =	sst s0;
	s0 =	simm.s32 @!p1 $0x0  }
0x14: {  	s2 =	sld [smem:$0x3F9C];
	s0 =	simm.s32 @p1 $0x1  }
0x15: {  	[smem:$0x3FB9] =	sst s0;
	s0 =	simm.s32 @!p2 $0x0  }
0x16: {  	s3 =	sld [smem:$0x3FDB];
	s0 =	simm.s32 @p2 $0x1  }
0x17: {  	s4 =	simm.s32 $0x1BF5;
	[smem:$0x3FBB] =	sst s0  }
0x18: {  	s0 =	sld [smem:$0x3F9E];
	_ =	swait.ge [sflag:s4], $0x0  }
0x19: {  	s7 =	sld [smem:$0x3F9F]  }
0x1a: {  	s8 =	sadd.s32 $0xFFFFE003, lr  }
0x1b: {  	s9 =	sadd.s32 $0xFFFFFEF7, lr;
	s5 =	simm.s32 $0xFFFFFFFF;
	p2 =	slt.u32 s8, $0xFFFFF086  }
0x1c: {  	p1 =	slt.u32 s9, $0xF7A;
	s5 =	simm.s32 @!p2 $0x0  }
0x1d: {  	s5 =	simm.s32 @p1 $0x1;
	p0 =	seq.s32 s7, s2  }
0x1e: {  	s7 =	smul.u32 @!p0 $0xF7A, s2;
	p2 =	seq.s32 @!p0 s5, $0x0  }
0x1f: {  	s9 =	smul.u32 $0xF7A, s1;
	s8 =	simm.s32 @!p0 $0x1BF5;
	p2 =	por !p2, p0  }
0x20: {  	[sflag:s8] =	ssyncset.s32 @!p0 $0xFFFFF086;
	s6 =	sadd.s32 @!p0 s3, s7;
	s7 =	simm.s32 @!p0 $0x108  }
0x21: {  	s3 =	sadd.s32 s3, s9;
	s6 =	sadd.s32 @!p0 $0x88, s6;
	s7 =	simm.s32 @p2 $0x1082  }
0x22: {  	[simem:s7], [sflag:s8] =	dma.local @!p0 [hbm:s6], $0xF7A  }
0x23: {  	s9 =	sor.u32 $0xD0000000, s2;
	s6 =	simm.s32 $0x108;
	_ =	swait.ge @!p0 [sflag:s8], $0x0  }
0x24: {  	s3 =	sadd.s32 $0x88, s3;
	s6 =	simm.s32 @!p1 $0x1082;
	[sflag:s4] =	ssyncset.s32 $0xFFFFF086  }
0x25: {  	[simem:s6], [sflag:s4] =	dma.local [hbm:s3], $0xF7A  }
0x26: {  	[smem:$0x3F9F] =	sst s1;
	(tag) =	ssettag s2;
	_ =	strace s9  }
0x27: {  	s1 =	sld [smem:$0x3FAF]  }
0x28: {  	s2 =	sld [smem:$0x3FB0]  }
0x29: {  	s4 =	sld [smem:$0x3FB2]  }
0x2a: {  	p0 =	seq.s32 s5, $0x0;
	s5 =	sld [smem:$0x3FB3]  }
0x2b: {  	s6 =	sld [smem:$0x3FB4]  }
0x2c: {  	s7 =	sld [smem:$0x3FB5]  }
0x2d: {  	s3 =	simm.s32 $0x108;
	s8 =	sld [smem:$0x3FB6]  }
0x2e: {  	s3 =	simm.s32 @!p0 $0x1082;
	s9 =	sld [smem:$0x3FB7]  }
0x2f: {  	lr =	sadd.s32 s0, s3;
	s0 =	sld [smem:$0x3FAE]  }
0x30: {  	s3 =	sld [smem:$0x3FB1]  }
0x31: {  	[smem:$0x3FBA] =	sst s10  }
0x32: {  	s10 =	sld [smem:$0x3FB8];
	_ =	sdelay $0x3  }
0x33: {  	p0 =	seq.s32 s10, $0x1;
	s10 =	sld [smem:$0x3FBA];
	_ =	sdelay $0x3  }
0x34: {  	[smem:$0x3FBA] =	sst s10  }
0x35: {  	s10 =	sld [smem:$0x3FB9];
	_ =	sdelay $0x3  }
0x36: {  	p1 =	seq.s32 s10, $0x1;
	s10 =	sld [smem:$0x3FBA];
	_ =	sdelay $0x3  }
0x37: {  	[smem:$0x3FBA] =	sst s10  }
0x38: {  	s10 =	sld [smem:$0x3FBB]  }
0x39: {  	_ = 	snop;
	(pc) =	sbr.ind lr, $3  }
0x3a: {  	_ = 	snop  }
0x3b: {  	_ = 	snop  }
0x3c: {  	p2 =	seq.s32 s10, $0x1;
	s10 =	sld [smem:$0x3FBA]  }
0x3d: {  	_ =	shalt  }
0x3e: {  	_ =	shalt  }
0x3f: {  	_ =	shalt  }
0x40: {  	_ =	shalt  }
0x41: {  	_ =	shalt  }
0x42: {  	_ =	shalt  }
0x43: {  	_ =	shalt  }
0x44: {  	_ =	shalt  }
0x45: {  	_ =	shalt  }
0x46: {  	_ =	shalt  }
0x47: {  	_ =	shalt  }
0x48: {  	_ =	shalt  }
0x49: {  	_ =	shalt  }
0x4a: {  	_ =	shalt  }
0x4b: {  	_ =	shalt  }
0x4c: {  	_ =	shalt  }
0x4d: {  	_ =	shalt  }
0x4e: {  	_ =	shalt  }
0x4f: {  	_ =	shalt  }
0x50: {  	_ =	shalt  }
0x51: {  	_ =	shalt  }
0x52: {  	_ =	shalt  }
0x53: {  	_ =	shalt  }
0x54: {  	_ =	shalt  }
0x55: {  	_ =	shalt  }
0x56: {  	_ =	shalt  }
0x57: {  	_ =	shalt  }
0x58: {  	_ =	shalt  }
0x59: {  	_ =	shalt  }
0x5a: {  	_ =	shalt  }
0x5b: {  	_ =	shalt  }
0x5c: {  	_ =	shalt  }
0x5d: {  	_ =	shalt  }
0x5e: {  	_ =	shalt  }
0x5f: {  	_ =	shalt  }
0x60: {  	_ =	shalt  }
0x61: {  	_ =	shalt  }
0x62: {  	_ =	shalt  }
0x63: {  	_ =	shalt  }
0x64: {  	_ =	shalt  }
0x65: {  	_ =	shalt  }
0x66: {  	_ =	shalt  }
0x67: {  	_ =	shalt  }
0x68: {  	_ =	shalt  }
0x69: {  	_ =	shalt  }
0x6a: {  	_ =	shalt  }
0x6b: {  	_ =	shalt  }
0x6c: {  	_ =	shalt  }
0x6d: {  	_ =	shalt  }
0x6e: {  	_ =	shalt  }
0x6f: {  	_ =	shalt  }
0x70: {  	_ =	shalt  }
0x71: {  	_ =	shalt  }
0x72: {  	_ =	shalt  }
0x73: {  	_ =	shalt  }
0x74: {  	_ =	shalt  }
0x75: {  	_ =	shalt  }
0x76: {  	_ =	shalt  }
0x77: {  	_ =	shalt  }
0x78: {  	_ =	shalt  }
0x79: {  	_ =	shalt  }
0x7a: {  	_ =	shalt  }
0x7b: {  	_ =	shalt  }
0x7c: {  	_ =	shalt  }
0x7d: {  	_ =	shalt  }
0x7e: {  	_ =	shalt  }
0x7f: {  	_ =	shalt  }
0x80: {  	_ =	shalt  }
0x81: {  	_ =	shalt  }
0x82: {  	_ =	shalt  }
0x83: {  	_ =	shalt  }
0x84: {  	_ =	shalt  }
0x85: {  	_ =	shalt  }
0x86: {  	_ =	shalt  }
0x87: {  	_ =	shalt  }
.Lfunc_end0:
.L_simem_size_0:
called_computation_lowered:
.L_overlay_start_0:
0x88: {  	s2 =	sld [smem:$0x3FD9]  }
0x89: {  	s3 =	sld [smem:$0x3FFE];
	_ =	sdelay $0x1  }
0x8a: {  	s1 =	srdreg.scid  }
0x8b: {  	s0 =	sand.u32 $0x1, s1  }
0x8c: {  	s17 =	sshll.u32 s0, $0xA;
	s2 =	sadd.s32 s3, s2  }
0x8d: {  	s2 =	sadd.s32 s2, s17  }
0x8e: {  	[smem:$0x3FC6] =	sst s2  }
0x8f: {  	_ = 	snop  }
0x90: {  	s2 =	sld [smem:$0x3FC9]  }
0x91: {  	s18 =	sld [smem:$0x3FD0];
	(tm) =	ssettm $0x1  }
0x92: {  	s4 =	sld [smem:$0x3FFB];
	_ =	sdelay $0x3  }
0x93: {  	_ =	strace s4  }
0x94: {  	s4 =	sld [smem:$0x3FFC];
	_ =	sdelay $0x3  }
0x95: {  	_ =	strace s4  }
0x96: {  	s4 =	sld [smem:$0x3FFD];
	_ =	sdelay $0x3  }
0x97: {  	_ =	strace s4  }
0x98: {  	_ =	strace $0x8FFFFFFF  }
0x99: {  	s19 =	sld [smem:$0x3FDB];
	_ =	sdelay $0x1  }
0x9a: {  	s5 =	simm.s32 $_scs_section_size  }
0x9b: {  	s6 =	simm.s32 $_size__tile_overlayer_lowered;
	s7 =	simm.s32 $_tile_overlayer_lowered  }
0x9c: {  	s22 =	simm.s32 $0x1BFF;
	s21 =	sshll.u32 s7, $0x1;
	s4 =	sadd.s32 s5, s19  }
0x9d: {  	s8 =	simm.s32 $0x0;
	s20 =	sshll.u32 s6, $0x1;
	s6 =	sadd.s32 s21, s4  }
0x9e: {  	[timem:s8], [sflag:s22] =	dma.local [hbm:s6], s20  }
0x9f: {  	_ =	swait.ge [sflag:s22], s20  }
0xa0: {  	s5 =	ssub.s32 $0x0, s20;
	[sflag:s22] =	ssyncset.done $0x0  }
0xa1: {  	[sflag:s22] =	ssyncadd.s32 s5;
	_ =	sdelay $0x1  }
0xa2: {  	s23 =	simm.s32 $0x1B8B  }
0xa3: {  	_ =	swait.ge [sflag:s23], $0x1  }
0xa4: {  	[sflag:s23] =	ssyncset.done $0x0  }
0xa5: {  	s25 =	simm.s32 $0x1B8E;
	s24 =	sld [smem:$0x3FFE];
	[sflag:s23] =	ssyncadd.s32 $0xFFFFFFFF  }
0xa6: {  	s26 =	simm.s32 $execute0_lowered;
	[smem:$0x3FD2] =	sst s25  }
0xa7: {  	s6 =	sshll.u32 s26, $0x1;
	_ =	strace $0x80000046;
	[dreg:$0x1] =	wrdreg $0xFFFFFFFF  }
0xa8: {  	s28 =	simm.s32 $_size_execute0_lowered;
	s4 =	sadd.s32 s4, s6;
	[dreg:$0x0] =	wrdreg $0x0  }
0xa9: {  	s6 =	sshll.u32 s28, $0x1;
	[dreg:$0x2] =	wrdreg s4  }
0xaa: {  	[dreg:$0x3] =	wrdreg s6  }
0xab: {  	[dreg:$0x4] =	wrdreg $0xC0  }
0xac: {  	_ =	task [dreg:s8], $0x5FFFF  }
0xad: {  	[dreg:$0x1] =	wrdreg $0xFFFFFFFF  }
0xae: {  	[dreg:$0x0] =	wrdreg $0x60  }
0xaf: {  	[dreg:$0x2] =	wrdreg s24  }
0xb0: {  	[dreg:$0x3] =	wrdreg s2  }
0xb1: {  	[dreg:$0x4] =	wrdreg s18  }
0xb2: {  	[dreg:$0x5] =	wrdreg $0x80000  }
0xb3: {  	[dreg:$0x6] =	wrdreg $0x9  }
0xb4: {  	_ =	task.clear_ibuf [dreg:s8], $0x7FFFF;
	_ =	strace $0x90000046  }
0xb5: {  	s29 =	simm.s32 $0x9;
	_ =	strace $0x80000048  }
0xb6: {  	_ =	swait.ge [sflag:s29], $0x1  }
0xb7: {  	[sflag:s29] =	ssyncadd.s32 $0xFFFFFFFF  }
0xb8: {  	_ =	strace $0x90000048  }
0xb9: {  	_ =	sfence  }
0xba: {  	s30 =	sld [smem:$0x0];
	_ =	sdelay $0x2  }
0xbb: {  	s31 =	sshll.u32 s1, $0xD;
	s1 =	sshrl.u32 s1, $0x2  }
0xbc: {  	s3 =	sand.u32 $0x4000, s31;
	s1 =	sadd.s32 s1, s30  }
0xbd: {  	s0 =	sor.u32 s3, s0;
	s1 =	sshll.u32 s1, $0x11  }
0xbe: {  	s0 =	sor.u32 s1, s0  }
0xbf: {  	s0 =	sadd.s32 $0x8F2B, s0  }
0xc0: {  	[sflag:s0] =	ssyncadd.remote.s32 $0x1  }
0xc1: {  	_ =	sfence.sel $0xFFFF  }
0xc2: {  	[dreg:$0x0] =	wrdreg $0xFFFFFFFF;
	(pc) =	sbr.abs _section_cstart, $3  }
0xc3: {  	[dreg:$0x1] =	wrdreg $0xFFFFFFFF  }
0xc4: {  	_ =	task.clear_ibuf [dreg:s8], $0x2FFFF;
	_ =	strace $0x9FFFFFFF  }
0xc5: {  	(tm) =	ssettm $0x7FFFFFFF  }
tec
execute0_lowered:
.L_overlay_start_1:
0x0: {  	(tag) =	ssettag $0x1  }
0x1: {  	s1 =	rddreg [dreg:$0x0]  }
0x2: {  	s8 =	rddreg [dreg:$0x1];
	s2 =	srdreg.scid  }
0x3: {  	s0 =	rddreg [dreg:$0x2];
	s9 =	stileid.u32;
	s18 =	simm.s32 $0x80  }
0x4: {  	s19 =	simm.s32 $0x400;
	s28 =	simm.s32 $0x16C00;
	s29 =	simm.s32 $0x10800  }
0x5: {  	s30 =	simm.s32 $0xC;
	s31 =	simm.s32 $0x17A00;
	s21 =	simm.s32 $0x7  }
0x6: {  	s7 =	sand.u32 $0x1, s2;
	s2 =	rddreg [dreg:$0x3];
	s3 =	sshll.u32 s9, $0x2  }
0x7: {  	s5 =	sshll.u32 s9, $0x11;
	s23 =	sadd.s32 $0xE00, s8;
	p0 =	sne.s32 s9, $0x0  }
0x8: {  	s9 =	simm.s32 $0xA;
	s4 =	sshll.u32 s7, $0x1;
	s6 =	sand.u32 $0x1C0000, s5  }
0x9: {  	s11 =	ssub.s32 $0x2, s7;
	s7 =	sadd.s32 $0x800, s1;
	s3 =	sor.u32 s4, s3  }
0xa: {  	s4 =	simm.s32 $0x0;
	s22 =	sshrl.u32 s11, $0x1;
	s10 =	sshll.u32 s3, $0x7  }
0xb: {  	[smem:$0x7FF] =	sst s4;
	s1 =	ssub.s32 s11, s22;
	s22 =	simm.s32 $0xFA00  }
0xc: {  	s11 =	simm.s32 $0x0;
	s10 =	sand.u32 $0x300, s10;
	_ =	strace $0x80000047  }
0xd: {  	s1 =	smax.u32 s1, $0x1;
	s12 =	sor.u32 s6, s10;
	s10 =	sor.u32 $0x80, s10  }
0xe: {  	[dreg:$0x9] =	wrdreg s1;
	s1 =	simm.s32 $0x13A00;
	s12 =	sshrl.u32 s12, $0x3  }
0xf: {  	s26 =	sor.u32 s10, s6;
	s10 =	sor.u32 s10, s5;
	s13 =	sadd.s32 s8, s12  }
0x10: {  	s12 =	sadd.s32 s12, s23;
	s14 =	sshrl.u32 s26, $0x3;
	s10 =	sshrl.u32 s10, $0x3  }
0x11: {  	s26 =	simm.s32 $0xB;
	[dreg:$0x6] =	wrdreg s12;
	s24 =	sadd.s32 $0x4000, s13  }
.Ltmp0:
0x12: {  	[dreg:$0x5] =	wrdreg s13;
	s25 =	sadd.s32 $0x4E00, s13;
	(pc) =	sbr.rel .LBB2_1-.Ltmp0, $4  }
0x13: {  	s12 =	sadd.s32 $0xE00, s0;
	s13 =	sadd.s32 s8, s14;
	s15 =	sor.u32 $0x4000, s10  }
0x14: {  	s10 =	sor.u32 $0x4E00, s10;
	s14 =	sadd.s32 s14, s23;
	[dreg:$0x7] =	wrdreg s24  }
0x15: {  	s23 =	simm.s32 $0xBA00;
	[dreg:$0x8] =	wrdreg s25;
	s15 =	sadd.s32 s8, s15  }
0x16: {  	s16 =	sadd.s32 s8, s10;
	s25 =	simm.s32 $0x5;
	s10 =	simm.s32 $0x8  }
.LBB2_8:
0x17: {  	s8 =	simm.s32 $0x9  }
0x18: {  	_ =	swait.ge [sflag:s8], $0xE00  }
0x19: {  	[sflag:s8] =	ssyncset.done $0x0  }
0x1a: {  	[sflag:s8] =	ssyncadd.s32 $0xFFFFF200  }
0x1b: {  	_ =	swait.ge [sflag:s21], $0x3200  }
0x1c: {  	[sflag:s21] =	ssyncset.done $0x0  }
0x1d: {  	[sflag:s21] =	ssyncadd.s32 $0xFFFFCE00  }
0x1e: {  	_ =	swait.ge [sflag:s9], $0xE00  }
0x1f: {  	[sflag:s9] =	ssyncset.done $0x0  }
0x20: {  	[sflag:s9] =	ssyncadd.s32 $0xFFFFF200  }
0x21: {  	_ =	swait.ge [sflag:s10], $0x3200  }
0x22: {  	s11 =	sadd.s32 $0x1, s11;
	s24 =	rddreg [dreg:$0x9]  }
0x23: {  	p1 =	sne.s32 s11, s24  }
.Ltmp1:
0x24: {  	_ = 	snop;
	(pc) =	sbr.rel @!p1 .LBB2_9-.Ltmp1, $3  }
0x25: {  	_ =	sdelay $0x1  }
0x26: {  	[sflag:s10] =	ssyncset.done $0x0  }
0x27: {  	[sflag:s10] =	ssyncadd.s32 $0xFFFFCE00  }
.LBB2_1:
0x28: {  	[tilespmem:s4], [sflag:$0x1] =	stream.linear.gather [hbm4b:s7+s4], $0x8000, $0x38;
	[tilespmem:$0x18800] =	vst v63  }
0x29: {  	s8 =	rddreg [dreg:$0x5];
	s17 =	simm.s32 $0xEC00  }
0x2a: {  	[tilespmem:s17], [sflag:$0x5] =	stream.strided.gather [hbm4b:s8+s18], $0xE00, s19, s18, $0x38;
	[tilespmem:$0x18800] =	vst v63  }
0x2b: {  	s20 =	rddreg [dreg:$0x6];
	s24 =	simm.s32 $0x8800  }
0x2c: {  	[tilespmem:s24], [sflag:$0x3] =	stream.strided.gather [hbm4b:s20+s18], $0x3200, s19, s18, $0x38;
	[tilespmem:$0x18800] =	vst v63  }
0x2d: {  	s17 =	rddreg [dreg:$0x7]  }
0x2e: {  	[tilespmem:s22], [sflag:$0x6] =	stream.strided.gather [hbm4b:s17+s18], $0xE00, s19, s18, $0x38;
	[tilespmem:$0x18800] =	vst v63  }
0x2f: {  	s8 =	sshrl.u32 @!p0 s2, $0x3;
	s20 =	rddreg [dreg:$0x8];
	s17 =	simm.s32 @!p0 $0x1C02  }
0x30: {  	[tilespmem:s23], [sflag:$0x4] =	stream.strided.gather [hbm4b:s20+s18], $0x3200, s19, s18, $0x38;
	[tilespmem:$0x18800] =	vst v63  }
0x31: {  	[spmem:s8], [sflag:s17] =	dma.local @!p0 [hbm:s7], $0x1000  }
0x32: {  	s8 =	simm.s32 @!p0 $0x2  }
0x33: {  	_ =	swait.ge @!p0 [sflag:s8], $0x1000  }
0x34: {  	[sflag:s8] =	ssyncset.done @!p0 $0x0  }
0x35: {  	[sflag:s8] =	ssyncadd.s32 @!p0 $0xFFFFF000  }
0x36: {  	s24 =	simm.s32 $0x1;
	[bflag:$0x0] =	sbarrier.arrive $0xFFFF  }
0x37: {  	_ =	swait.ge [sflag:s24], $0x8000  }
0x38: {  	[sflag:s24] =	ssyncset.done $0x0  }
0x39: {  	p1 =	por $0x1, $0x1;
	s17 =	simm.s32 $0x0;
	[sflag:s24] =	ssyncadd.s32 $0xFFFF8000  }
.LBB2_2:
0x3a: {  	_ =	swait.ge [sflag:s25], $0xE00  }
0x3b: {  	s8 =	simm.s32 @p1 $0xE00;
	[sflag:s25] =	ssyncset.done $0x0  }
0x3c: {  	s20 =	simm.s32 @p1 $0xEC00;
	s24 =	simm.s32 @p1 $0x16C00;
	[sflag:s25] =	ssyncadd.s32 $0xFFFFF200  }
0x3d: {  	[tilespmem:s24], [sflag:$0xB] =	stream.indirect.gather @p1 [spmem:s2], $0x1, s20, s8, $0xb8;
	[tilespmem:$0x18800] =	vst v63  }
0x3e: {  	s8 =	simm.s32 @!p1 $0x9  }
0x3f: {  	_ =	swait.ge @!p1 [sflag:s8], $0xE00  }
0x40: {  	s20 =	simm.s32 @!p1 $0xEC00;
	[sflag:s8] =	ssyncset.done @!p1 $0x0  }
0x41: {  	s24 =	simm.s32 @!p1 $0x16C00;
	[sflag:s8] =	ssyncadd.s32 @!p1 $0xFFFFF200;
	s8 =	simm.s32 @!p1 $0xE00  }
0x42: {  	[tilespmem:s24], [sflag:$0xB] =	stream.indirect.gather @!p1 [spmem:s2], $0x1, s20, s8, $0xb8;
	[tilespmem:$0x18800] =	vst v63  }
0x43: {  	s8 =	simm.s32 @!p1 $0x3  }
0x44: {  	_ =	swait.ge @!p1 [sflag:s8], $0x3200  }
0x45: {  	s20 =	simm.s32 @!p1 $0x7;
	[sflag:s8] =	ssyncset.done @!p1 $0x0  }
0x46: {  	s20 =	simm.s32 @p1 $0x3;
	[sflag:s8] =	ssyncadd.s32 @!p1 $0xFFFFCE00  }
0x47: {  	_ =	swait.ge [sflag:s20], $0x3200  }
0x48: {  	[sflag:s20] =	ssyncset.done $0x0  }
0x49: {  	s24 =	simm.s32 $0x8840;
	[sflag:s20] =	ssyncadd.s32 $0xFFFFCE00  }
0x4a: {  	v0 =	vld [tilespmem:s24+$0x30]  }
0x4b: {  	v1 =	vld [tilespmem:s24+$0xFFFFFFD0]  }
0x4c: {  	v2 =	vld [tilespmem:s24+$0xFFFFFFE0]  }
0x4d: {  	v3 =	vld [tilespmem:s24+$0xFFFFFFF0]  }
0x4e: {  	v6 =	vld [tilespmem:s24+$0x0]  }
0x4f: {  	v7 =	vld [tilespmem:s24+$0x10]  }
0x50: {  	v8 =	vld [tilespmem:s24+$0x20]  }
0x51: {  	v9 =	vld [tilespmem:s24+$0xFFFFFFC0]  }
0x52: {  	v10 =	vld.idx.msk [tilespmem:v0+s4+$0x0], $0xffff  }
0x53: {  	v11 =	vld.idx.msk [tilespmem:v1+s4+$0x0], $0xffff  }
0x54: {  	v5 =	vld.idx.msk [tilespmem:v2+s4+$0x0], $0xffff  }
0x55: {  	v4 =	vld.idx.msk [tilespmem:v3+s4+$0x0], $0xffff  }
0x56: {  	v1 =	vld.idx.msk [tilespmem:v6+s4+$0x0], $0xffff  }
0x57: {  	s8 =	simm.s32 $0x10840;
	v2 =	vld.idx.msk [tilespmem:v7+s4+$0x0], $0xffff  }
0x58: {  	v0 =	vld.idx.msk [tilespmem:v8+s4+$0x0], $0xffff;
	[tilespmem:s8+$0x30] =	vst v10  }
0x59: {  	s20 =	simm.s32 $0x88C0;
	s24 =	simm.s32 $0x0;
	v3 =	vld.idx.msk [tilespmem:v9+s4+$0x0], $0xffff;
	[tilespmem:s8+$0xFFFFFFD0] =	vst v11  }
.LBB2_3:
0x5a: {  	v6 =	vld [tilespmem:s20+$0x30];
	s24 =	sadd.s32 $0x80, s24;
	[tilespmem:s8+$0xFFFFFFE0] =	vst v5  }
0x5b: {  	v5 =	vld [tilespmem:s20+$0xFFFFFFD0];
	p2 =	slt.u32 s24, $0x3180;
	[tilespmem:s8+$0xFFFFFFF0] =	vst v4  }
0x5c: {  	v4 =	vld [tilespmem:s20+$0xFFFFFFE0];
	[tilespmem:s8+$0x0] =	vst v1  }
0x5d: {  	v1 =	vld [tilespmem:s20+$0xFFFFFFF0];
	[tilespmem:s8+$0x10] =	vst v2  }
0x5e: {  	v2 =	vld [tilespmem:s20+$0x0];
	[tilespmem:s8+$0x20] =	vst v0  }
0x5f: {  	v0 =	vld [tilespmem:s20+$0x10];
	[tilespmem:s8+$0xFFFFFFC0] =	vst v3  }
0x60: {  	v3 =	vld [tilespmem:s20+$0x20]  }
0x61: {  	v7 =	vld [tilespmem:s20+$0xFFFFFFC0]  }
0x62: {  	v6 =	vld.idx.msk [tilespmem:v6+s4+$0x0], $0xffff  }
0x63: {  	v8 =	vld.idx.msk [tilespmem:v5+s4+$0x0], $0xffff  }
0x64: {  	v5 =	vld.idx.msk [tilespmem:v4+s4+$0x0], $0xffff  }
.Ltmp2:
0x65: {  	v4 =	vld.idx.msk [tilespmem:v1+s4+$0x0], $0xffff;
	(pc) =	sbr.rel @p2 .LBB2_3-.Ltmp2, $4  }
0x66: {  	v1 =	vld.idx.msk [tilespmem:v2+s4+$0x0], $0xffff  }
0x67: {  	s8 =	sadd.s32 $0x80, s8;
	v2 =	vld.idx.msk [tilespmem:v0+s4+$0x0], $0xffff  }
0x68: {  	v0 =	vld.idx.msk [tilespmem:v3+s4+$0x0], $0xffff;
	[tilespmem:s8+$0x30] =	vst v6  }
0x69: {  	s20 =	sadd.s32 $0x80, s20;
	v3 =	vld.idx.msk [tilespmem:v7+s4+$0x0], $0xffff;
	[tilespmem:s8+$0xFFFFFFD0] =	vst v8  }
0x6a: {  	[tilespmem:s8+$0xFFFFFFE0] =	vst v5  }
0x6b: {  	[tilespmem:s8+$0xFFFFFFF0] =	vst v4  }
0x6c: {  	[tilespmem:s8+$0x0] =	vst v1  }
0x6d: {  	s17 =	sor.u32 s3, s17;
	[tilespmem:s8+$0x10] =	vst v2  }
0x6e: {  	s17 =	sshll.u32 s17, $0x7;
	[tilespmem:s8+$0x20] =	vst v0  }
0x6f: {  	s17 =	sand.u32 $0x380, s17;
	[tilespmem:s8+$0xFFFFFFC0] =	vst v3  }
0x70: {  	s20 =	sor.u32 s6, s17;
	_ =	swait.ge [sflag:s26], $0xE00  }
0x71: {  	s8 =	sshrl.u32 s20, $0x3;
	[sflag:s26] =	ssyncset.done $0x0  }
0x72: {  	s20 =	sadd.s32 s0, s8;
	[sflag:s26] =	ssyncadd.s32 $0xFFFFF200  }
0x73: {  	[hbm4b:s20+s18] =	stream.strided.scatter [tilespmem:s28], [sflag:$0x9], $0xE00, s19, s18, $0x38;
	[tilespmem:$0x18800] =	vst v63  }
0x74: {  	s8 =	sadd.s32 s8, s12  }
0x75: {  	[hbm4b:s8+s18] =	stream.strided.scatter [tilespmem:s29], [sflag:$0x7], $0x3200, s19, s18, $0x38;
	[tilespmem:$0x18800] =	vst v63  }
0x76: {  	s24 =	simm.s32 @p1 $0xEC00;
	s20 =	simm.s32 @p1 $0x400;
	s8 =	simm.s32 @p1 $0x80  }
0x77: {  	[tilespmem:s24], [sflag:$0x5] =	stream.strided.gather @p1 [hbm4b:s13+s8], $0xE00, s20, s8, $0x38;
	[tilespmem:$0x18800] =	vst v63  }
0x78: {  	s24 =	simm.s32 @p1 $0x8800  }
0x79: {  	[tilespmem:s24], [sflag:$0x3] =	stream.strided.gather @p1 [hbm4b:s14+s8], $0x3200, s20, s8, $0x38;
	[tilespmem:$0x18800] =	vst v63  }
0x7a: {  	s8 =	simm.s32 @p1 $0x6  }
0x7b: {  	_ =	swait.ge @p1 [sflag:s8], $0xE00  }
0x7c: {  	s20 =	simm.s32 @p1 $0xFA00;
	[sflag:s8] =	ssyncset.done @p1 $0x0  }
0x7d: {  	s24 =	simm.s32 @p1 $0x17A00;
	[sflag:s8] =	ssyncadd.s32 @p1 $0xFFFFF200;
	s8 =	simm.s32 @p1 $0xE00  }
0x7e: {  	[tilespmem:s24], [sflag:$0xC] =	stream.indirect.gather @p1 [spmem:s2], $0x1, s20, s8, $0xb8;
	[tilespmem:$0x18800] =	vst v63  }
0x7f: {  	s8 =	simm.s32 @!p1 $0x6  }
0x80: {  	_ =	swait.ge @!p1 [sflag:s8], $0xE00  }
0x81: {  	[sflag:s8] =	ssyncset.done @!p1 $0x0  }
0x82: {  	[sflag:s8] =	ssyncadd.s32 @!p1 $0xFFFFF200;
	s8 =	simm.s32 @!p1 $0xA  }
0x83: {  	_ =	swait.ge @!p1 [sflag:s8], $0xE00  }
0x84: {  	s20 =	simm.s32 @!p1 $0xFA00;
	[sflag:s8] =	ssyncset.done @!p1 $0x0  }
0x85: {  	s24 =	simm.s32 @!p1 $0x17A00;
	[sflag:s8] =	ssyncadd.s32 @!p1 $0xFFFFF200;
	s8 =	simm.s32 @!p1 $0xE00  }
0x86: {  	[tilespmem:s24], [sflag:$0xC] =	stream.indirect.gather @!p1 [spmem:s2], $0x1, s20, s8, $0xb8;
	[tilespmem:$0x18800] =	vst v63  }
0x87: {  	s8 =	simm.s32 @!p1 $0x4  }
0x88: {  	_ =	swait.ge @!p1 [sflag:s8], $0x3200  }
0x89: {  	s20 =	simm.s32 @!p1 $0x8;
	[sflag:s8] =	ssyncset.done @!p1 $0x0  }
0x8a: {  	s20 =	simm.s32 @p1 $0x4;
	[sflag:s8] =	ssyncadd.s32 @!p1 $0xFFFFCE00  }
0x8b: {  	_ =	swait.ge [sflag:s20], $0x3200  }
0x8c: {  	[sflag:s20] =	ssyncset.done $0x0  }
0x8d: {  	s24 =	simm.s32 $0xBA40;
	[sflag:s20] =	ssyncadd.s32 $0xFFFFCE00  }
0x8e: {  	v0 =	vld [tilespmem:s24+$0x30]  }
0x8f: {  	v1 =	vld [tilespmem:s24+$0xFFFFFFD0]  }
0x90: {  	v2 =	vld [tilespmem:s24+$0xFFFFFFE0]  }
0x91: {  	v3 =	vld [tilespmem:s24+$0xFFFFFFF0]  }
0x92: {  	v4 =	vld [tilespmem:s24+$0x0]  }
0x93: {  	v6 =	vld [tilespmem:s24+$0x10]  }
0x94: {  	v7 =	vld [tilespmem:s24+$0x20]  }
0x95: {  	v8 =	vld [tilespmem:s24+$0xFFFFFFC0]  }
0x96: {  	v9 =	vld.idx.msk [tilespmem:v0+s4+$0x0], $0xffff  }
0x97: {  	v10 =	vld.idx.msk [tilespmem:v1+s4+$0x0], $0xffff  }
0x98: {  	v5 =	vld.idx.msk [tilespmem:v2+s4+$0x0], $0xffff  }
0x99: {  	v3 =	vld.idx.msk [tilespmem:v3+s4+$0x0], $0xffff  }
0x9a: {  	v0 =	vld.idx.msk [tilespmem:v4+s4+$0x0], $0xffff  }
0x9b: {  	s8 =	simm.s32 $0x13A40;
	v1 =	vld.idx.msk [tilespmem:v6+s4+$0x0], $0xffff  }
0x9c: {  	v2 =	vld.idx.msk [tilespmem:v7+s4+$0x0], $0xffff;
	[tilespmem:s8+$0x30] =	vst v9  }
0x9d: {  	s20 =	simm.s32 $0xBAC0;
	s24 =	simm.s32 $0x0;
	v4 =	vld.idx.msk [tilespmem:v8+s4+$0x0], $0xffff;
	[tilespmem:s8+$0xFFFFFFD0] =	vst v10  }
.LBB2_5:
0x9e: {  	v6 =	vld [tilespmem:s20+$0x30];
	s24 =	sadd.s32 $0x80, s24;
	[tilespmem:s8+$0xFFFFFFE0] =	vst v5  }
0x9f: {  	v5 =	vld [tilespmem:s20+$0xFFFFFFD0];
	p2 =	slt.u32 s24, $0x3180;
	[tilespmem:s8+$0xFFFFFFF0] =	vst v3  }
0xa0: {  	v3 =	vld [tilespmem:s20+$0xFFFFFFE0];
	[tilespmem:s8+$0x0] =	vst v0  }
0xa1: {  	v0 =	vld [tilespmem:s20+$0xFFFFFFF0];
	[tilespmem:s8+$0x10] =	vst v1  }
0xa2: {  	v1 =	vld [tilespmem:s20+$0x0];
	[tilespmem:s8+$0x20] =	vst v2  }
0xa3: {  	v2 =	vld [tilespmem:s20+$0x10];
	[tilespmem:s8+$0xFFFFFFC0] =	vst v4  }
0xa4: {  	v4 =	vld [tilespmem:s20+$0x20]  }
0xa5: {  	v7 =	vld [tilespmem:s20+$0xFFFFFFC0]  }
0xa6: {  	v6 =	vld.idx.msk [tilespmem:v6+s4+$0x0], $0xffff  }
0xa7: {  	v8 =	vld.idx.msk [tilespmem:v5+s4+$0x0], $0xffff  }
0xa8: {  	v5 =	vld.idx.msk [tilespmem:v3+s4+$0x0], $0xffff  }
.Ltmp3:
0xa9: {  	v3 =	vld.idx.msk [tilespmem:v0+s4+$0x0], $0xffff;
	(pc) =	sbr.rel @p2 .LBB2_5-.Ltmp3, $4  }
0xaa: {  	v0 =	vld.idx.msk [tilespmem:v1+s4+$0x0], $0xffff  }
0xab: {  	s8 =	sadd.s32 $0x80, s8;
	v1 =	vld.idx.msk [tilespmem:v2+s4+$0x0], $0xffff  }
0xac: {  	v2 =	vld.idx.msk [tilespmem:v4+s4+$0x0], $0xffff;
	[tilespmem:s8+$0x30] =	vst v6  }
0xad: {  	s20 =	sadd.s32 $0x80, s20;
	v4 =	vld.idx.msk [tilespmem:v7+s4+$0x0], $0xffff;
	[tilespmem:s8+$0xFFFFFFD0] =	vst v8  }
0xae: {  	[tilespmem:s8+$0xFFFFFFE0] =	vst v5  }
0xaf: {  	[tilespmem:s8+$0xFFFFFFF0] =	vst v3  }
0xb0: {  	[tilespmem:s8+$0x0] =	vst v0  }
0xb1: {  	[tilespmem:s8+$0x10] =	vst v1  }
0xb2: {  	[tilespmem:s8+$0x20] =	vst v2  }
0xb3: {  	s20 =	sor.u32 s5, s17;
	[tilespmem:s8+$0xFFFFFFC0] =	vst v4  }
0xb4: {  	s8 =	sshrl.u32 s20, $0x3;
	_ =	swait.ge [sflag:s30], $0xE00  }
.Ltmp4:
0xb5: {  	s24 =	sor.u32 $0x4000, s8;
	[sflag:s30] =	ssyncset.done $0x0;
	(pc) =	sbr.rel @!p1 .LBB2_8-.Ltmp4, $4  }
0xb6: {  	s8 =	sor.u32 $0x4E00, s8;
	s17 =	sadd.s32 s0, s24;
	[sflag:s30] =	ssyncadd.s32 $0xFFFFF200  }
0xb7: {  	[hbm4b:s17+s18] =	stream.strided.scatter [tilespmem:s31], [sflag:$0xA], $0xE00, s19, s18, $0x38;
	[tilespmem:$0x18800] =	vst v63  }
0xb8: {  	s8 =	sadd.s32 s0, s8  }
0xb9: {  	[hbm4b:s8+s18] =	stream.strided.scatter [tilespmem:s1], [sflag:$0x8], $0x3200, s19, s18, $0x38;
	[tilespmem:$0x18800] =	vst v63  }
.Ltmp5:
0xba: {  	(pc) =	sbr.rel .LBB2_2-.Ltmp5, $4  }
0xbb: {  	_ = 	snop  }
0xbc: {  	[tilespmem:s22], [sflag:$0x6] =	stream.strided.gather [hbm4b:s15+s18], $0xE00, s19, s18, $0x38;
	[tilespmem:$0x18800] =	vst v63  }
0xbd: {  	s17 =	simm.s32 $0x1;
	p1 =	por $0x0, $0x0  }
0xbe: {  	[tilespmem:s23], [sflag:$0x4] =	stream.strided.gather [hbm4b:s16+s18], $0x3200, s19, s18, $0x38;
	[tilespmem:$0x18800] =	vst v63  }
.LBB2_9:
0xbf: {  	_ =	sfence.sel $0x180000  }
0xc0: {  	[bflag:$0x0] =	sbarrier.arrive $0xFFFF  }
0xc1: {  	_ =	strace $0x90000047  }
0xc2: {  	[bflag:$0x2] =	sbarrier.arrive $0xFFFF  }
0xc3: {  	s0 =	rddreg [dreg:$0x4]  }
0xc4: {  	s0 =	sadd.s32 @!p0 $0x100000, s0  }
0xc5: {  	[sflag:s0] =	ssyncadd.tile.s32 @!p0 $0x1;
	_ =	shalt  }
.Lfunc_end2:
_tile_overlayer_lowered:
.L_overlay_start_2:
0xc6: {  	(tag) =	ssettag $0x2  }
0xc7: {  	s0 =	rddreg [dreg:$0x0];
	s2 =	stileid.u32  }
0xc8: {  	s1 =	rddreg [dreg:$0x1];
	p0 =	sne.s32 s2, $0x0  }
0xc9: {  	s3 =	rddreg [dreg:$0x2];
	[bflag:$0x3] =	sbarrier.arrive $0xFFFF;
	s2 =	simm.s32 @!p0 $0x1C0D  }
0xca: {  	[timem:s3], [sflag:s2] =	dma.local @!p0 [hbm:s0], s1  }
0xcb: {  	s0 =	simm.s32 @!p0 $0xD  }
0xcc: {  	_ =	swait.ge @!p0 [sflag:s0], s1  }
0xcd: {  	s1 =	ssub.s32 @!p0 $0x0, s1;
	[sflag:s0] =	ssyncset.done @!p0 $0x0  }
0xce: {  	[sflag:s0] =	ssyncadd.s32 @!p0 s1  }
0xcf: {  	[bflag:$0x3] =	sbarrier.arrive $0xFFFF  }
0xd0: {  	_ =	shalt  }

</sc_bundles>
